<compile_context>
chip_gen: v7x
topology: tpu7x:2x2x1
jax: 0.10.2.dev20260603
libtpu: 0.0.44.dev20260713+nightly
codegen_flags: <defaults>
</compile_context>

<pallas_src>
import functools

import jax
import jax.numpy as jnp
from jax import lax
from jax.experimental import pallas as pl
from jax.experimental.pallas import tpu as pltpu
from jax.experimental.pallas import tpu_sc as plsc

_F32 = jnp.float32
_BT = 256
_CC = 2048
_PB = 1024
_BIG = 2 ** 30


def _rowdot(a, b):
    return lax.dot_general(a.astype(jnp.bfloat16), b.astype(jnp.bfloat16),
                           (((1,), (1,)), ((), ())),
                           preferred_element_type=_F32)


def _norm_rows_asrow(m):
    return jnp.sum(m * m, axis=1, keepdims=True).T


def _encode_argmin_body(x_ref, w1_ref, b1_ref, w2_ref, b2_ref, lw_ref,
                        lb_ref, lci_ref, cb_ref, idx_ref):
    x = x_ref[:]
    h = jax.nn.gelu(_rowdot(x, w1_ref[:]) + b1_ref[:])
    h = jax.nn.gelu(_rowdot(h, w2_ref[:]) + b2_ref[:])
    lw = lw_ref[:]
    absrowsum = jnp.sum(jnp.abs(lw), axis=1, keepdims=True)
    scale = jnp.minimum(1.0, jax.nn.softplus(lci_ref[:]) / absrowsum)
    z_e = jax.nn.sigmoid(_rowdot(h, lw * scale) + lb_ref[:])
    z_norm = jnp.sum(z_e * z_e, axis=1, keepdims=True)

    n_codes = cb_ref.shape[0]
    ids = lax.broadcasted_iota(jnp.int32, (_BT, _CC), 1)
    best_m = jnp.full((_BT, 1), jnp.inf, _F32)
    best_i = jnp.zeros((_BT, 1), jnp.int32)
    for c in range(n_codes // _CC):
        cbc = cb_ref[c * _CC:(c + 1) * _CC, :]
        dist = (z_norm + _norm_rows_asrow(cbc)) - 2.0 * _rowdot(z_e, cbc)
        m = jnp.min(dist, axis=1, keepdims=True)
        a = jnp.min(jnp.where(dist == m, ids, _BIG), axis=1, keepdims=True)
        better = m < best_m
        best_i = jnp.where(better, a + c * _CC, best_i)
        best_m = jnp.where(better, m, best_m)
    idx_ref[:] = best_i


@functools.lru_cache(maxsize=None)
def _encode_argmin_call(B, F, H1, H2, Z, NZ):
    grid = (B // _BT,)
    full = lambda i: (0, 0)
    return pl.pallas_call(
        _encode_argmin_body,
        grid=grid,
        in_specs=[
            pl.BlockSpec((_BT, F), lambda i: (i, 0)),
            pl.BlockSpec((H1, F), full),
            pl.BlockSpec((1, H1), full),
            pl.BlockSpec((H2, H1), full),
            pl.BlockSpec((1, H2), full),
            pl.BlockSpec((Z, H2), full),
            pl.BlockSpec((1, Z), full),
            pl.BlockSpec((Z, 1), full),
            pl.BlockSpec((NZ, Z), full),
        ],
        out_specs=pl.BlockSpec((_BT, 1), lambda i: (i, 0)),
        out_shape=jax.ShapeDtypeStruct((B, 1), jnp.int32),
    )


def _prep_body(cb_ref, qw_ref, qb_ref, qci_ref, qcb_ref, out_ref):
    qw = qw_ref[:]
    absrowsum = jnp.sum(jnp.abs(qw), axis=1, keepdims=True)
    scale = jnp.minimum(1.0, jax.nn.softplus(qci_ref[:]) / absrowsum)
    q_e = jax.nn.sigmoid(_rowdot(cb_ref[:], qw * scale) + qb_ref[:])
    qe_norm = jnp.sum(q_e * q_e, axis=1, keepdims=True)
    qcb = qcb_ref[:]
    nq = qcb.shape[0]
    dist = (qe_norm + _norm_rows_asrow(qcb)) - 2.0 * _rowdot(q_e, qcb)
    m = jnp.min(dist, axis=1, keepdims=True)
    ids = lax.broadcasted_iota(jnp.int32, (_PB, nq), 1)
    qidx = jnp.min(jnp.where(dist == m, ids, _BIG), axis=1, keepdims=True)
    onehot = (ids == qidx).astype(_F32)
    qq = lax.dot_general(onehot, qcb, (((1,), (0,)), ((), ())),
                         preferred_element_type=_F32,
                         precision=lax.Precision.HIGHEST)
    idxf = lax.bitcast_convert_type(qidx, _F32)
    pad = 128 - cb_ref.shape[1] - qq.shape[1] - 8
    out_ref[:] = jnp.concatenate(
        [cb_ref[:], qq, jnp.broadcast_to(idxf, (_PB, 8)),
         jnp.zeros((_PB, pad), _F32)], axis=1)


@functools.lru_cache(maxsize=None)
def _prep_call(NZ, Z, Q, NQ):
    grid = (NZ // _PB,)
    full = lambda i: (0, 0)
    return pl.pallas_call(
        _prep_body,
        grid=grid,
        in_specs=[
            pl.BlockSpec((_PB, Z), lambda i: (i, 0)),
            pl.BlockSpec((Q, Z), full),
            pl.BlockSpec((1, Q), full),
            pl.BlockSpec((Q, 1), full),
            pl.BlockSpec((NQ, Q), full),
        ],
        out_specs=pl.BlockSpec((_PB, 128), lambda i: (i, 0)),
        out_shape=jax.ShapeDtypeStruct((NZ, 128), _F32),
    )


@functools.lru_cache(maxsize=None)
def _gather_call(B, TW):
    info = plsc.get_sparse_core_info()
    nc, ns = info.num_cores, info.num_subcores
    nw = nc * ns
    bpw = B // nw
    ic = 64
    k = bpw // ic
    mesh = plsc.VectorSubcoreMesh(core_axis_name="c", subcore_axis_name="s")

    @functools.partial(
        pl.kernel, mesh=mesh,
        out_type=jax.ShapeDtypeStruct((B, TW), _F32),
        scratch_types=[
            pltpu.VMEM((k, ic), jnp.int32),
        ] + [pltpu.VMEM((ic, TW), _F32) for _ in range(k)] + [
            pltpu.SemaphoreType.DMA,
        ],
    )
    def _sc_gather(t2_hbm, idx_hbm, gt_hbm, idx_v, *bufs_sem):
        bufs, sem = bufs_sem[:k], bufs_sem[k]
        wid = lax.axis_index("s") * nc + lax.axis_index("c")
        with jax.named_scope("idx_load"):
            pltpu.sync_copy(idx_hbm.at[pl.ds(wid * k, k)], idx_v)
        with jax.named_scope("gather"):
            copies = [
                pltpu.async_copy(t2_hbm.at[idx_v.at[j]], bufs[j], sem)
                for j in range(k)
            ]
            for c in copies:
                c.wait()
        with jax.named_scope("writeback"):
            for j in range(k):
                pltpu.sync_copy(
                    bufs[j], gt_hbm.at[pl.ds(wid * bpw + j * ic, ic)])

    return _sc_gather


def kernel(x, enc_W1, enc_b1, enc_W2, enc_b2, lat_W, lat_b, lat_ci,
           z_codebook, qenc_W, qenc_b, qenc_ci, q_codebook):
    B, F = x.shape
    H1 = enc_W1.shape[0]
    H2 = enc_W2.shape[0]
    Z = lat_W.shape[0]
    NZ = z_codebook.shape[0]
    NQ, Q = q_codebook.shape

    z_idx = _encode_argmin_call(B, F, H1, H2, Z, NZ)(
        x, enc_W1, enc_b1.reshape(1, H1), enc_W2, enc_b2.reshape(1, H2),
        lat_W, lat_b.reshape(1, Z), lat_ci.reshape(Z, 1),
        z_codebook).reshape(B)
    t2 = _prep_call(NZ, Z, Q, NQ)(
        z_codebook, qenc_W, qenc_b.reshape(1, Q), qenc_ci.reshape(Q, 1),
        q_codebook)
    gt = _gather_call(B, 128)(t2, z_idx.reshape(B // 64, 64))
    z_q = gt[:, :Z]
    q_q = gt[:, Z:Z + Q]
    q_idx = lax.bitcast_convert_type(gt[:, Z + Q], jnp.int32)
    return z_q, z_idx, q_q, q_idx

# --- scband reference (transcript-rebuilt; emitter-appended) ---
"""Pipeline reference for scband-hierarchical-lfqhvqvae-31052613550674 (READ-ONLY COPY).

The authoritative reference and input builder live on the scoring server;
editing this copy changes nothing except your own understanding.
"""

import jax, jax.numpy as jnp
import numpy as np


def _normalization(W, ci):
    absrowsum = jnp.sum(jnp.abs(W), axis=1, keepdims=True)
    scale = jnp.minimum(1.0, jax.nn.softplus(ci)[:, None] / absrowsum)
    return W * scale


def _quantize(z_e, codebook):
    # ||a-b||^2 = ||a||^2 + ||b||^2 - 2 a.b  (matches LFQQuantizerEMA_KMeans eval path)
    z_norm = jnp.sum(z_e * z_e, axis=1, keepdims=True)
    cb_norm = jnp.sum(codebook * codebook, axis=1, keepdims=True)
    dots = z_e @ codebook.T
    dist = z_norm + cb_norm.T - 2.0 * dots
    idx = jnp.argmin(dist, axis=1)
    z_q = jnp.take(codebook, idx, axis=0)
    return z_q, idx


def setup_inputs(seed: int = 0):
    key = jax.random.key(seed)
    ks = jax.random.split(key, 14)
    B, feature_dim, hidden_dim = 16384, 768, 128
    z_dim, q_dim = 64, 32
    num_z_codes, num_q_codes = 8192, 1024
    x = jax.random.normal(ks[0], (B, feature_dim), dtype=jnp.float32)
    enc_W1 = jax.random.normal(ks[1], (64, feature_dim), dtype=jnp.float32) * (2.0 / feature_dim) ** 0.5
    enc_b1 = jnp.zeros((64,), jnp.float32)
    enc_W2 = jax.random.normal(ks[2], (hidden_dim, 64), dtype=jnp.float32) * (2.0 / 64) ** 0.5
    enc_b2 = jnp.zeros((hidden_dim,), jnp.float32)
    lat_W = jax.random.normal(ks[3], (z_dim, hidden_dim), dtype=jnp.float32)
    lat_b = jnp.zeros((z_dim,), jnp.float32)
    lat_ci = jnp.ones((z_dim,), jnp.float32)
    z_codebook = jax.random.normal(ks[4], (num_z_codes, z_dim), dtype=jnp.float32) * (2.0 / z_dim) ** 0.5
    qenc_W = jax.random.normal(ks[5], (q_dim, z_dim), dtype=jnp.float32)
    qenc_b = jnp.zeros((q_dim,), jnp.float32)
    qenc_ci = jnp.ones((q_dim,), jnp.float32)
    q_codebook = jax.random.normal(ks[6], (num_q_codes, q_dim), dtype=jnp.float32) * (2.0 / q_dim) ** 0.5
    return {
        "x": x,
        "enc_W1": enc_W1, "enc_b1": enc_b1,
        "enc_W2": enc_W2, "enc_b2": enc_b2,
        "lat_W": lat_W, "lat_b": lat_b, "lat_ci": lat_ci,
        "z_codebook": z_codebook,
        "qenc_W": qenc_W, "qenc_b": qenc_b, "qenc_ci": qenc_ci,
        "q_codebook": q_codebook,
    }


def reference(x, enc_W1, enc_b1, enc_W2, enc_b2, lat_W, lat_b, lat_ci,
              z_codebook, qenc_W, qenc_b, qenc_ci, q_codebook):
    # encoder: Linear(feature_dim,64)+GELU, Linear(64,hidden)+GELU
    h = jax.nn.gelu(x @ enc_W1.T + enc_b1)
    h = jax.nn.gelu(h @ enc_W2.T + enc_b2)
    # LipschitzMLP to z latent
    z_e = jax.nn.sigmoid(h @ _normalization(lat_W, lat_ci).T + lat_b)
    # level-1 quantization (EMA quantizer, eval path)
    z_q, z_idx = _quantize(z_e, z_codebook)
    # LipschitzMLP q_encoder: z_dim -> q_dim
    q_e = jax.nn.sigmoid(z_q @ _normalization(qenc_W, qenc_ci).T + qenc_b)
    # level-2 quantization
    q_q, q_idx = _quantize(q_e, q_codebook)
    return (z_q, z_idx, q_q, q_idx)

if __name__ == "__main__":
    import jax
    _d = setup_inputs()
    print(jax.jit(kernel)(*tuple(_d.values())))

</pallas_src>

<mosaic_0001>
#map = affine_map<(d0, d1) -> (0, 0)>
module attributes {stable_mosaic.version = 14 : i64} {
  func.func @_sc_gather(%arg0: i32, %arg1: i32, %arg2: memref<8192x128xf32, #tpu.memory_space<hbm>>, %arg3: memref<256x64xi32, #tpu.memory_space<hbm>>, %arg4: memref<16384x128xf32, #tpu.memory_space<hbm>>, %arg5: memref<8x64xi32, #tpu.memory_space<vmem>>, %arg6: memref<64x128xf32, #tpu.memory_space<vmem>>, %arg7: memref<64x128xf32, #tpu.memory_space<vmem>>, %arg8: memref<64x128xf32, #tpu.memory_space<vmem>>, %arg9: memref<64x128xf32, #tpu.memory_space<vmem>>, %arg10: memref<64x128xf32, #tpu.memory_space<vmem>>, %arg11: memref<64x128xf32, #tpu.memory_space<vmem>>, %arg12: memref<64x128xf32, #tpu.memory_space<vmem>>, %arg13: memref<64x128xf32, #tpu.memory_space<vmem>>, %arg14: memref<!tpu.dma_semaphore, #tpu.memory_space<semaphore_mem>>) attributes {dimension_semantics = [#tpu.dimension_semantics<core_parallel>, #tpu.dimension_semantics<subcore_parallel>], iteration_bounds = array<i64: 2, 16>, scalar_prefetch = 0 : i64, scratch_operands = 10 : i64, tpu.core_type = #tpu.core_type<sc_vector_subcore>, window_params = [{transform_indices = #map}, {transform_indices = #map}, {transform_indices = #map}]} {
    %mul3A = arith.constant 2 : i32
    %mul3A_0 = arith.muli %arg1, %mul3A : i32
    %add3A = arith.addi %mul3A_0, %arg0 : i32
    "tpu.trace_start"() <{level = 10 : i32, message = "idx_load"}> : () -> ()
    %mul3A_1 = arith.constant 8 : i32
    %mul3A_2 = arith.muli %add3A, %mul3A_1 : i32
    "tpu.region"() ({
      %run_scoped3A = tpu.sem_alloc : memref<!tpu.dma_semaphore, #tpu.memory_space<semaphore_mem>>
      %dma_start3A_145 = arith.constant 0 : i32
      %dma_start3A_146 = tpu.memref_slice %arg3[%mul3A_2, %dma_start3A_145] : memref<256x64xi32, #tpu.memory_space<hbm>> -> memref<8x64xi32, #tpu.memory_space<hbm>>
      %dma_start3A_147 = arith.constant 0 : i32
      %dma_start3A_148 = tpu.memref_slice %arg3[%mul3A_2, %dma_start3A_147] : memref<256x64xi32, #tpu.memory_space<hbm>> -> memref<8x64xi32, #tpu.memory_space<hbm>>
      tpu.enqueue_dma source(%dma_start3A_148 : memref<8x64xi32, #tpu.memory_space<hbm>>) target(%arg5 : memref<8x64xi32, #tpu.memory_space<vmem>>) target_semaphore(%run_scoped3A : memref<!tpu.dma_semaphore, #tpu.memory_space<semaphore_mem>>)
      %dma_wait3A_149 = arith.constant 0 : i32
      %dma_wait3A_150 = tpu.memref_slice %arg3[%mul3A_2, %dma_wait3A_149] : memref<256x64xi32, #tpu.memory_space<hbm>> -> memref<8x64xi32, #tpu.memory_space<hbm>>
      %dma_wait3A_151 = arith.constant 0 : i32
      %dma_wait3A_152 = tpu.memref_slice %arg3[%mul3A_2, %dma_wait3A_151] : memref<256x64xi32, #tpu.memory_space<hbm>> -> memref<8x64xi32, #tpu.memory_space<hbm>>
      tpu.wait_dma2 semaphore(%run_scoped3A : memref<!tpu.dma_semaphore, #tpu.memory_space<semaphore_mem>>) src(%dma_wait3A_152 : memref<8x64xi32, #tpu.memory_space<hbm>>) dst(%arg5 : memref<8x64xi32, #tpu.memory_space<vmem>>)
      tpu.yield
    }) : () -> ()
    %dma_start3A = arith.constant 0 : i32
    "tpu.trace_stop"() : () -> ()
    "tpu.trace_start"() <{level = 10 : i32, message = "gather"}> : () -> ()
    %dma_start3A_3 = arith.constant 0 : i32
    %dma_start3A_4 = tpu.memref_slice %arg5[%dma_start3A, %dma_start3A_3] : memref<8x64xi32, #tpu.memory_space<vmem>> -> memref<1x64xi32, #tpu.memory_space<vmem>>
    %dma_start3A_5 = tpu.memref_squeeze %dma_start3A_4 : memref<1x64xi32, #tpu.memory_space<vmem>> -> memref<64xi32, #tpu.memory_space<vmem>>
    %dma_start3A_6 = arith.constant 0 : i32
    %dma_start3A_7 = arith.constant 0 : i32
    %dma_start3A_8 = tpu.memref_slice %arg2[%dma_start3A_6, %dma_start3A_7] : memref<8192x128xf32, #tpu.memory_space<hbm>> -> memref<8192x128xf32, #tpu.memory_space<hbm>>
    tpu.enqueue_indirect_dma source(%dma_start3A_8 : memref<8192x128xf32, #tpu.memory_space<hbm>>) target(%arg6 : memref<64x128xf32, #tpu.memory_space<vmem>>) offsets(%dma_start3A_5 : memref<64xi32, #tpu.memory_space<vmem>>) semaphore(%arg14 : memref<!tpu.dma_semaphore, #tpu.memory_space<semaphore_mem>>)
    %dma_start3A_9 = arith.constant 1 : i32
    %dma_start3A_10 = arith.constant 0 : i32
    %dma_start3A_11 = tpu.memref_slice %arg5[%dma_start3A_9, %dma_start3A_10] : memref<8x64xi32, #tpu.memory_space<vmem>> -> memref<1x64xi32, #tpu.memory_space<vmem>>
    %dma_start3A_12 = tpu.memref_squeeze %dma_start3A_11 : memref<1x64xi32, #tpu.memory_space<vmem>> -> memref<64xi32, #tpu.memory_space<vmem>>
    %dma_start3A_13 = arith.constant 0 : i32
    %dma_start3A_14 = arith.constant 0 : i32
    %dma_start3A_15 = tpu.memref_slice %arg2[%dma_start3A_13, %dma_start3A_14] : memref<8192x128xf32, #tpu.memory_space<hbm>> -> memref<8192x128xf32, #tpu.memory_space<hbm>>
    tpu.enqueue_indirect_dma source(%dma_start3A_15 : memref<8192x128xf32, #tpu.memory_space<hbm>>) target(%arg7 : memref<64x128xf32, #tpu.memory_space<vmem>>) offsets(%dma_start3A_12 : memref<64xi32, #tpu.memory_space<vmem>>) semaphore(%arg14 : memref<!tpu.dma_semaphore, #tpu.memory_space<semaphore_mem>>)
    %dma_start3A_16 = arith.constant 2 : i32
    %dma_start3A_17 = arith.constant 0 : i32
    %dma_start3A_18 = tpu.memref_slice %arg5[%dma_start3A_16, %dma_start3A_17] : memref<8x64xi32, #tpu.memory_space<vmem>> -> memref<1x64xi32, #tpu.memory_space<vmem>>
    %dma_start3A_19 = tpu.memref_squeeze %dma_start3A_18 : memref<1x64xi32, #tpu.memory_space<vmem>> -> memref<64xi32, #tpu.memory_space<vmem>>
    %dma_start3A_20 = arith.constant 0 : i32
    %dma_start3A_21 = arith.constant 0 : i32
    %dma_start3A_22 = tpu.memref_slice %arg2[%dma_start3A_20, %dma_start3A_21] : memref<8192x128xf32, #tpu.memory_space<hbm>> -> memref<8192x128xf32, #tpu.memory_space<hbm>>
    tpu.enqueue_indirect_dma source(%dma_start3A_22 : memref<8192x128xf32, #tpu.memory_space<hbm>>) target(%arg8 : memref<64x128xf32, #tpu.memory_space<vmem>>) offsets(%dma_start3A_19 : memref<64xi32, #tpu.memory_space<vmem>>) semaphore(%arg14 : memref<!tpu.dma_semaphore, #tpu.memory_space<semaphore_mem>>)
    %dma_start3A_23 = arith.constant 3 : i32
    %dma_start3A_24 = arith.constant 0 : i32
    %dma_start3A_25 = tpu.memref_slice %arg5[%dma_start3A_23, %dma_start3A_24] : memref<8x64xi32, #tpu.memory_space<vmem>> -> memref<1x64xi32, #tpu.memory_space<vmem>>
    %dma_start3A_26 = tpu.memref_squeeze %dma_start3A_25 : memref<1x64xi32, #tpu.memory_space<vmem>> -> memref<64xi32, #tpu.memory_space<vmem>>
    %dma_start3A_27 = arith.constant 0 : i32
    %dma_start3A_28 = arith.constant 0 : i32
    %dma_start3A_29 = tpu.memref_slice %arg2[%dma_start3A_27, %dma_start3A_28] : memref<8192x128xf32, #tpu.memory_space<hbm>> -> memref<8192x128xf32, #tpu.memory_space<hbm>>
    tpu.enqueue_indirect_dma source(%dma_start3A_29 : memref<8192x128xf32, #tpu.memory_space<hbm>>) target(%arg9 : memref<64x128xf32, #tpu.memory_space<vmem>>) offsets(%dma_start3A_26 : memref<64xi32, #tpu.memory_space<vmem>>) semaphore(%arg14 : memref<!tpu.dma_semaphore, #tpu.memory_space<semaphore_mem>>)
    %dma_start3A_30 = arith.constant 4 : i32
    %dma_start3A_31 = arith.constant 0 : i32
    %dma_start3A_32 = tpu.memref_slice %arg5[%dma_start3A_30, %dma_start3A_31] : memref<8x64xi32, #tpu.memory_space<vmem>> -> memref<1x64xi32, #tpu.memory_space<vmem>>
    %dma_start3A_33 = tpu.memref_squeeze %dma_start3A_32 : memref<1x64xi32, #tpu.memory_space<vmem>> -> memref<64xi32, #tpu.memory_space<vmem>>
    %dma_start3A_34 = arith.constant 0 : i32
    %dma_start3A_35 = arith.constant 0 : i32
    %dma_start3A_36 = tpu.memref_slice %arg2[%dma_start3A_34, %dma_start3A_35] : memref<8192x128xf32, #tpu.memory_space<hbm>> -> memref<8192x128xf32, #tpu.memory_space<hbm>>
    tpu.enqueue_indirect_dma source(%dma_start3A_36 : memref<8192x128xf32, #tpu.memory_space<hbm>>) target(%arg10 : memref<64x128xf32, #tpu.memory_space<vmem>>) offsets(%dma_start3A_33 : memref<64xi32, #tpu.memory_space<vmem>>) semaphore(%arg14 : memref<!tpu.dma_semaphore, #tpu.memory_space<semaphore_mem>>)
    %dma_start3A_37 = arith.constant 5 : i32
    %dma_start3A_38 = arith.constant 0 : i32
    %dma_start3A_39 = tpu.memref_slice %arg5[%dma_start3A_37, %dma_start3A_38] : memref<8x64xi32, #tpu.memory_space<vmem>> -> memref<1x64xi32, #tpu.memory_space<vmem>>
    %dma_start3A_40 = tpu.memref_squeeze %dma_start3A_39 : memref<1x64xi32, #tpu.memory_space<vmem>> -> memref<64xi32, #tpu.memory_space<vmem>>
    %dma_start3A_41 = arith.constant 0 : i32
    %dma_start3A_42 = arith.constant 0 : i32
    %dma_start3A_43 = tpu.memref_slice %arg2[%dma_start3A_41, %dma_start3A_42] : memref<8192x128xf32, #tpu.memory_space<hbm>> -> memref<8192x128xf32, #tpu.memory_space<hbm>>
    tpu.enqueue_indirect_dma source(%dma_start3A_43 : memref<8192x128xf32, #tpu.memory_space<hbm>>) target(%arg11 : memref<64x128xf32, #tpu.memory_space<vmem>>) offsets(%dma_start3A_40 : memref<64xi32, #tpu.memory_space<vmem>>) semaphore(%arg14 : memref<!tpu.dma_semaphore, #tpu.memory_space<semaphore_mem>>)
    %dma_start3A_44 = arith.constant 6 : i32
    %dma_start3A_45 = arith.constant 0 : i32
    %dma_start3A_46 = tpu.memref_slice %arg5[%dma_start3A_44, %dma_start3A_45] : memref<8x64xi32, #tpu.memory_space<vmem>> -> memref<1x64xi32, #tpu.memory_space<vmem>>
    %dma_start3A_47 = tpu.memref_squeeze %dma_start3A_46 : memref<1x64xi32, #tpu.memory_space<vmem>> -> memref<64xi32, #tpu.memory_space<vmem>>
    %dma_start3A_48 = arith.constant 0 : i32
    %dma_start3A_49 = arith.constant 0 : i32
    %dma_start3A_50 = tpu.memref_slice %arg2[%dma_start3A_48, %dma_start3A_49] : memref<8192x128xf32, #tpu.memory_space<hbm>> -> memref<8192x128xf32, #tpu.memory_space<hbm>>
    tpu.enqueue_indirect_dma source(%dma_start3A_50 : memref<8192x128xf32, #tpu.memory_space<hbm>>) target(%arg12 : memref<64x128xf32, #tpu.memory_space<vmem>>) offsets(%dma_start3A_47 : memref<64xi32, #tpu.memory_space<vmem>>) semaphore(%arg14 : memref<!tpu.dma_semaphore, #tpu.memory_space<semaphore_mem>>)
    %dma_start3A_51 = arith.constant 7 : i32
    %dma_start3A_52 = arith.constant 0 : i32
    %dma_start3A_53 = tpu.memref_slice %arg5[%dma_start3A_51, %dma_start3A_52] : memref<8x64xi32, #tpu.memory_space<vmem>> -> memref<1x64xi32, #tpu.memory_space<vmem>>
    %dma_start3A_54 = tpu.memref_squeeze %dma_start3A_53 : memref<1x64xi32, #tpu.memory_space<vmem>> -> memref<64xi32, #tpu.memory_space<vmem>>
    %dma_start3A_55 = arith.constant 0 : i32
    %dma_start3A_56 = arith.constant 0 : i32
    %dma_start3A_57 = tpu.memref_slice %arg2[%dma_start3A_55, %dma_start3A_56] : memref<8192x128xf32, #tpu.memory_space<hbm>> -> memref<8192x128xf32, #tpu.memory_space<hbm>>
    tpu.enqueue_indirect_dma source(%dma_start3A_57 : memref<8192x128xf32, #tpu.memory_space<hbm>>) target(%arg13 : memref<64x128xf32, #tpu.memory_space<vmem>>) offsets(%dma_start3A_54 : memref<64xi32, #tpu.memory_space<vmem>>) semaphore(%arg14 : memref<!tpu.dma_semaphore, #tpu.memory_space<semaphore_mem>>)
    %dma_wait3A = arith.constant 0 : i32
    %dma_wait3A_58 = arith.constant 0 : i32
    %dma_wait3A_59 = tpu.memref_slice %arg5[%dma_wait3A, %dma_wait3A_58] : memref<8x64xi32, #tpu.memory_space<vmem>> -> memref<1x64xi32, #tpu.memory_space<vmem>>
    %dma_wait3A_60 = tpu.memref_squeeze %dma_wait3A_59 : memref<1x64xi32, #tpu.memory_space<vmem>> -> memref<64xi32, #tpu.memory_space<vmem>>
    %dma_wait3A_61 = arith.constant 0 : i32
    %dma_wait3A_62 = arith.constant 0 : i32
    %dma_wait3A_63 = tpu.memref_slice %arg2[%dma_wait3A_61, %dma_wait3A_62] : memref<8192x128xf32, #tpu.memory_space<hbm>> -> memref<8192x128xf32, #tpu.memory_space<hbm>>
    tpu.wait_indirect_dma semaphore(%arg14 : memref<!tpu.dma_semaphore, #tpu.memory_space<semaphore_mem>>) src(%dma_wait3A_63 : memref<8192x128xf32, #tpu.memory_space<hbm>>) dst(%arg6 : memref<64x128xf32, #tpu.memory_space<vmem>>)
    %dma_wait3A_64 = arith.constant 1 : i32
    %dma_wait3A_65 = arith.constant 0 : i32
    %dma_wait3A_66 = tpu.memref_slice %arg5[%dma_wait3A_64, %dma_wait3A_65] : memref<8x64xi32, #tpu.memory_space<vmem>> -> memref<1x64xi32, #tpu.memory_space<vmem>>
    %dma_wait3A_67 = tpu.memref_squeeze %dma_wait3A_66 : memref<1x64xi32, #tpu.memory_space<vmem>> -> memref<64xi32, #tpu.memory_space<vmem>>
    %dma_wait3A_68 = arith.constant 0 : i32
    %dma_wait3A_69 = arith.constant 0 : i32
    %dma_wait3A_70 = tpu.memref_slice %arg2[%dma_wait3A_68, %dma_wait3A_69] : memref<8192x128xf32, #tpu.memory_space<hbm>> -> memref<8192x128xf32, #tpu.memory_space<hbm>>
    tpu.wait_indirect_dma semaphore(%arg14 : memref<!tpu.dma_semaphore, #tpu.memory_space<semaphore_mem>>) src(%dma_wait3A_70 : memref<8192x128xf32, #tpu.memory_space<hbm>>) dst(%arg7 : memref<64x128xf32, #tpu.memory_space<vmem>>)
    %dma_wait3A_71 = arith.constant 2 : i32
    %dma_wait3A_72 = arith.constant 0 : i32
    %dma_wait3A_73 = tpu.memref_slice %arg5[%dma_wait3A_71, %dma_wait3A_72] : memref<8x64xi32, #tpu.memory_space<vmem>> -> memref<1x64xi32, #tpu.memory_space<vmem>>
    %dma_wait3A_74 = tpu.memref_squeeze %dma_wait3A_73 : memref<1x64xi32, #tpu.memory_space<vmem>> -> memref<64xi32, #tpu.memory_space<vmem>>
    %dma_wait3A_75 = arith.constant 0 : i32
    %dma_wait3A_76 = arith.constant 0 : i32
    %dma_wait3A_77 = tpu.memref_slice %arg2[%dma_wait3A_75, %dma_wait3A_76] : memref<8192x128xf32, #tpu.memory_space<hbm>> -> memref<8192x128xf32, #tpu.memory_space<hbm>>
    tpu.wait_indirect_dma semaphore(%arg14 : memref<!tpu.dma_semaphore, #tpu.memory_space<semaphore_mem>>) src(%dma_wait3A_77 : memref<8192x128xf32, #tpu.memory_space<hbm>>) dst(%arg8 : memref<64x128xf32, #tpu.memory_space<vmem>>)
    %dma_wait3A_78 = arith.constant 3 : i32
    %dma_wait3A_79 = arith.constant 0 : i32
    %dma_wait3A_80 = tpu.memref_slice %arg5[%dma_wait3A_78, %dma_wait3A_79] : memref<8x64xi32, #tpu.memory_space<vmem>> -> memref<1x64xi32, #tpu.memory_space<vmem>>
    %dma_wait3A_81 = tpu.memref_squeeze %dma_wait3A_80 : memref<1x64xi32, #tpu.memory_space<vmem>> -> memref<64xi32, #tpu.memory_space<vmem>>
    %dma_wait3A_82 = arith.constant 0 : i32
    %dma_wait3A_83 = arith.constant 0 : i32
    %dma_wait3A_84 = tpu.memref_slice %arg2[%dma_wait3A_82, %dma_wait3A_83] : memref<8192x128xf32, #tpu.memory_space<hbm>> -> memref<8192x128xf32, #tpu.memory_space<hbm>>
    tpu.wait_indirect_dma semaphore(%arg14 : memref<!tpu.dma_semaphore, #tpu.memory_space<semaphore_mem>>) src(%dma_wait3A_84 : memref<8192x128xf32, #tpu.memory_space<hbm>>) dst(%arg9 : memref<64x128xf32, #tpu.memory_space<vmem>>)
    %dma_wait3A_85 = arith.constant 4 : i32
    %dma_wait3A_86 = arith.constant 0 : i32
    %dma_wait3A_87 = tpu.memref_slice %arg5[%dma_wait3A_85, %dma_wait3A_86] : memref<8x64xi32, #tpu.memory_space<vmem>> -> memref<1x64xi32, #tpu.memory_space<vmem>>
    %dma_wait3A_88 = tpu.memref_squeeze %dma_wait3A_87 : memref<1x64xi32, #tpu.memory_space<vmem>> -> memref<64xi32, #tpu.memory_space<vmem>>
    %dma_wait3A_89 = arith.constant 0 : i32
    %dma_wait3A_90 = arith.constant 0 : i32
    %dma_wait3A_91 = tpu.memref_slice %arg2[%dma_wait3A_89, %dma_wait3A_90] : memref<8192x128xf32, #tpu.memory_space<hbm>> -> memref<8192x128xf32, #tpu.memory_space<hbm>>
    tpu.wait_indirect_dma semaphore(%arg14 : memref<!tpu.dma_semaphore, #tpu.memory_space<semaphore_mem>>) src(%dma_wait3A_91 : memref<8192x128xf32, #tpu.memory_space<hbm>>) dst(%arg10 : memref<64x128xf32, #tpu.memory_space<vmem>>)
    %dma_wait3A_92 = arith.constant 5 : i32
    %dma_wait3A_93 = arith.constant 0 : i32
    %dma_wait3A_94 = tpu.memref_slice %arg5[%dma_wait3A_92, %dma_wait3A_93] : memref<8x64xi32, #tpu.memory_space<vmem>> -> memref<1x64xi32, #tpu.memory_space<vmem>>
    %dma_wait3A_95 = tpu.memref_squeeze %dma_wait3A_94 : memref<1x64xi32, #tpu.memory_space<vmem>> -> memref<64xi32, #tpu.memory_space<vmem>>
    %dma_wait3A_96 = arith.constant 0 : i32
    %dma_wait3A_97 = arith.constant 0 : i32
    %dma_wait3A_98 = tpu.memref_slice %arg2[%dma_wait3A_96, %dma_wait3A_97] : memref<8192x128xf32, #tpu.memory_space<hbm>> -> memref<8192x128xf32, #tpu.memory_space<hbm>>
    tpu.wait_indirect_dma semaphore(%arg14 : memref<!tpu.dma_semaphore, #tpu.memory_space<semaphore_mem>>) src(%dma_wait3A_98 : memref<8192x128xf32, #tpu.memory_space<hbm>>) dst(%arg11 : memref<64x128xf32, #tpu.memory_space<vmem>>)
    %dma_wait3A_99 = arith.constant 6 : i32
    %dma_wait3A_100 = arith.constant 0 : i32
    %dma_wait3A_101 = tpu.memref_slice %arg5[%dma_wait3A_99, %dma_wait3A_100] : memref<8x64xi32, #tpu.memory_space<vmem>> -> memref<1x64xi32, #tpu.memory_space<vmem>>
    %dma_wait3A_102 = tpu.memref_squeeze %dma_wait3A_101 : memref<1x64xi32, #tpu.memory_space<vmem>> -> memref<64xi32, #tpu.memory_space<vmem>>
    %dma_wait3A_103 = arith.constant 0 : i32
    %dma_wait3A_104 = arith.constant 0 : i32
    %dma_wait3A_105 = tpu.memref_slice %arg2[%dma_wait3A_103, %dma_wait3A_104] : memref<8192x128xf32, #tpu.memory_space<hbm>> -> memref<8192x128xf32, #tpu.memory_space<hbm>>
    tpu.wait_indirect_dma semaphore(%arg14 : memref<!tpu.dma_semaphore, #tpu.memory_space<semaphore_mem>>) src(%dma_wait3A_105 : memref<8192x128xf32, #tpu.memory_space<hbm>>) dst(%arg12 : memref<64x128xf32, #tpu.memory_space<vmem>>)
    %dma_wait3A_106 = arith.constant 7 : i32
    %dma_wait3A_107 = arith.constant 0 : i32
    %dma_wait3A_108 = tpu.memref_slice %arg5[%dma_wait3A_106, %dma_wait3A_107] : memref<8x64xi32, #tpu.memory_space<vmem>> -> memref<1x64xi32, #tpu.memory_space<vmem>>
    %dma_wait3A_109 = tpu.memref_squeeze %dma_wait3A_108 : memref<1x64xi32, #tpu.memory_space<vmem>> -> memref<64xi32, #tpu.memory_space<vmem>>
    %dma_wait3A_110 = arith.constant 0 : i32
    %dma_wait3A_111 = arith.constant 0 : i32
    %dma_wait3A_112 = tpu.memref_slice %arg2[%dma_wait3A_110, %dma_wait3A_111] : memref<8192x128xf32, #tpu.memory_space<hbm>> -> memref<8192x128xf32, #tpu.memory_space<hbm>>
    tpu.wait_indirect_dma semaphore(%arg14 : memref<!tpu.dma_semaphore, #tpu.memory_space<semaphore_mem>>) src(%dma_wait3A_112 : memref<8192x128xf32, #tpu.memory_space<hbm>>) dst(%arg13 : memref<64x128xf32, #tpu.memory_space<vmem>>)
    "tpu.trace_stop"() : () -> ()
    "tpu.trace_start"() <{level = 10 : i32, message = "writeback"}> : () -> ()
    %mul3A_113 = arith.constant 512 : i32
    %mul3A_114 = arith.muli %add3A, %mul3A_113 : i32
    %add3A_115 = arith.constant 0 : i32
    %add3A_116 = arith.addi %mul3A_114, %add3A_115 : i32
    "tpu.region"() ({
      %run_scoped3A = tpu.sem_alloc : memref<!tpu.dma_semaphore, #tpu.memory_space<semaphore_mem>>
      %dma_start3A_145 = arith.constant 0 : i32
      %dma_start3A_146 = tpu.memref_slice %arg4[%add3A_116, %dma_start3A_145] : memref<16384x128xf32, #tpu.memory_space<hbm>> -> memref<64x128xf32, #tpu.memory_space<hbm>>
      %dma_start3A_147 = arith.constant 0 : i32
      %dma_start3A_148 = tpu.memref_slice %arg4[%add3A_116, %dma_start3A_147] : memref<16384x128xf32, #tpu.memory_space<hbm>> -> memref<64x128xf32, #tpu.memory_space<hbm>>
      tpu.enqueue_dma source(%arg6 : memref<64x128xf32, #tpu.memory_space<vmem>>) target(%dma_start3A_148 : memref<64x128xf32, #tpu.memory_space<hbm>>) target_semaphore(%run_scoped3A : memref<!tpu.dma_semaphore, #tpu.memory_space<semaphore_mem>>)
      %dma_wait3A_149 = arith.constant 0 : i32
      %dma_wait3A_150 = tpu.memref_slice %arg4[%add3A_116, %dma_wait3A_149] : memref<16384x128xf32, #tpu.memory_space<hbm>> -> memref<64x128xf32, #tpu.memory_space<hbm>>
      %dma_wait3A_151 = arith.constant 0 : i32
      %dma_wait3A_152 = tpu.memref_slice %arg4[%add3A_116, %dma_wait3A_151] : memref<16384x128xf32, #tpu.memory_space<hbm>> -> memref<64x128xf32, #tpu.memory_space<hbm>>
      tpu.wait_dma2 semaphore(%run_scoped3A : memref<!tpu.dma_semaphore, #tpu.memory_space<semaphore_mem>>) src(%arg6 : memref<64x128xf32, #tpu.memory_space<vmem>>) dst(%dma_wait3A_152 : memref<64x128xf32, #tpu.memory_space<hbm>>)
      tpu.yield
    }) : () -> ()
    %mul3A_117 = arith.constant 512 : i32
    %mul3A_118 = arith.muli %add3A, %mul3A_117 : i32
    %add3A_119 = arith.constant 64 : i32
    %add3A_120 = arith.addi %mul3A_118, %add3A_119 : i32
    "tpu.region"() ({
      %run_scoped3A = tpu.sem_alloc : memref<!tpu.dma_semaphore, #tpu.memory_space<semaphore_mem>>
      %dma_start3A_145 = arith.constant 0 : i32
      %dma_start3A_146 = tpu.memref_slice %arg4[%add3A_120, %dma_start3A_145] : memref<16384x128xf32, #tpu.memory_space<hbm>> -> memref<64x128xf32, #tpu.memory_space<hbm>>
      %dma_start3A_147 = arith.constant 0 : i32
      %dma_start3A_148 = tpu.memref_slice %arg4[%add3A_120, %dma_start3A_147] : memref<16384x128xf32, #tpu.memory_space<hbm>> -> memref<64x128xf32, #tpu.memory_space<hbm>>
      tpu.enqueue_dma source(%arg7 : memref<64x128xf32, #tpu.memory_space<vmem>>) target(%dma_start3A_148 : memref<64x128xf32, #tpu.memory_space<hbm>>) target_semaphore(%run_scoped3A : memref<!tpu.dma_semaphore, #tpu.memory_space<semaphore_mem>>)
      %dma_wait3A_149 = arith.constant 0 : i32
      %dma_wait3A_150 = tpu.memref_slice %arg4[%add3A_120, %dma_wait3A_149] : memref<16384x128xf32, #tpu.memory_space<hbm>> -> memref<64x128xf32, #tpu.memory_space<hbm>>
      %dma_wait3A_151 = arith.constant 0 : i32
      %dma_wait3A_152 = tpu.memref_slice %arg4[%add3A_120, %dma_wait3A_151] : memref<16384x128xf32, #tpu.memory_space<hbm>> -> memref<64x128xf32, #tpu.memory_space<hbm>>
      tpu.wait_dma2 semaphore(%run_scoped3A : memref<!tpu.dma_semaphore, #tpu.memory_space<semaphore_mem>>) src(%arg7 : memref<64x128xf32, #tpu.memory_space<vmem>>) dst(%dma_wait3A_152 : memref<64x128xf32, #tpu.memory_space<hbm>>)
      tpu.yield
    }) : () -> ()
    %mul3A_121 = arith.constant 512 : i32
    %mul3A_122 = arith.muli %add3A, %mul3A_121 : i32
    %add3A_123 = arith.constant 128 : i32
    %add3A_124 = arith.addi %mul3A_122, %add3A_123 : i32
    "tpu.region"() ({
      %run_scoped3A = tpu.sem_alloc : memref<!tpu.dma_semaphore, #tpu.memory_space<semaphore_mem>>
      %dma_start3A_145 = arith.constant 0 : i32
      %dma_start3A_146 = tpu.memref_slice %arg4[%add3A_124, %dma_start3A_145] : memref<16384x128xf32, #tpu.memory_space<hbm>> -> memref<64x128xf32, #tpu.memory_space<hbm>>
      %dma_start3A_147 = arith.constant 0 : i32
      %dma_start3A_148 = tpu.memref_slice %arg4[%add3A_124, %dma_start3A_147] : memref<16384x128xf32, #tpu.memory_space<hbm>> -> memref<64x128xf32, #tpu.memory_space<hbm>>
      tpu.enqueue_dma source(%arg8 : memref<64x128xf32, #tpu.memory_space<vmem>>) target(%dma_start3A_148 : memref<64x128xf32, #tpu.memory_space<hbm>>) target_semaphore(%run_scoped3A : memref<!tpu.dma_semaphore, #tpu.memory_space<semaphore_mem>>)
      %dma_wait3A_149 = arith.constant 0 : i32
      %dma_wait3A_150 = tpu.memref_slice %arg4[%add3A_124, %dma_wait3A_149] : memref<16384x128xf32, #tpu.memory_space<hbm>> -> memref<64x128xf32, #tpu.memory_space<hbm>>
      %dma_wait3A_151 = arith.constant 0 : i32
      %dma_wait3A_152 = tpu.memref_slice %arg4[%add3A_124, %dma_wait3A_151] : memref<16384x128xf32, #tpu.memory_space<hbm>> -> memref<64x128xf32, #tpu.memory_space<hbm>>
      tpu.wait_dma2 semaphore(%run_scoped3A : memref<!tpu.dma_semaphore, #tpu.memory_space<semaphore_mem>>) src(%arg8 : memref<64x128xf32, #tpu.memory_space<vmem>>) dst(%dma_wait3A_152 : memref<64x128xf32, #tpu.memory_space<hbm>>)
      tpu.yield
    }) : () -> ()
    %mul3A_125 = arith.constant 512 : i32
    %mul3A_126 = arith.muli %add3A, %mul3A_125 : i32
    %add3A_127 = arith.constant 192 : i32
    %add3A_128 = arith.addi %mul3A_126, %add3A_127 : i32
    "tpu.region"() ({
      %run_scoped3A = tpu.sem_alloc : memref<!tpu.dma_semaphore, #tpu.memory_space<semaphore_mem>>
      %dma_start3A_145 = arith.constant 0 : i32
      %dma_start3A_146 = tpu.memref_slice %arg4[%add3A_128, %dma_start3A_145] : memref<16384x128xf32, #tpu.memory_space<hbm>> -> memref<64x128xf32, #tpu.memory_space<hbm>>
      %dma_start3A_147 = arith.constant 0 : i32
      %dma_start3A_148 = tpu.memref_slice %arg4[%add3A_128, %dma_start3A_147] : memref<16384x128xf32, #tpu.memory_space<hbm>> -> memref<64x128xf32, #tpu.memory_space<hbm>>
      tpu.enqueue_dma source(%arg9 : memref<64x128xf32, #tpu.memory_space<vmem>>) target(%dma_start3A_148 : memref<64x128xf32, #tpu.memory_space<hbm>>) target_semaphore(%run_scoped3A : memref<!tpu.dma_semaphore, #tpu.memory_space<semaphore_mem>>)
      %dma_wait3A_149 = arith.constant 0 : i32
      %dma_wait3A_150 = tpu.memref_slice %arg4[%add3A_128, %dma_wait3A_149] : memref<16384x128xf32, #tpu.memory_space<hbm>> -> memref<64x128xf32, #tpu.memory_space<hbm>>
      %dma_wait3A_151 = arith.constant 0 : i32
      %dma_wait3A_152 = tpu.memref_slice %arg4[%add3A_128, %dma_wait3A_151] : memref<16384x128xf32, #tpu.memory_space<hbm>> -> memref<64x128xf32, #tpu.memory_space<hbm>>
      tpu.wait_dma2 semaphore(%run_scoped3A : memref<!tpu.dma_semaphore, #tpu.memory_space<semaphore_mem>>) src(%arg9 : memref<64x128xf32, #tpu.memory_space<vmem>>) dst(%dma_wait3A_152 : memref<64x128xf32, #tpu.memory_space<hbm>>)
      tpu.yield
    }) : () -> ()
    %mul3A_129 = arith.constant 512 : i32
    %mul3A_130 = arith.muli %add3A, %mul3A_129 : i32
    %add3A_131 = arith.constant 256 : i32
    %add3A_132 = arith.addi %mul3A_130, %add3A_131 : i32
    "tpu.region"() ({
      %run_scoped3A = tpu.sem_alloc : memref<!tpu.dma_semaphore, #tpu.memory_space<semaphore_mem>>
      %dma_start3A_145 = arith.constant 0 : i32
      %dma_start3A_146 = tpu.memref_slice %arg4[%add3A_132, %dma_start3A_145] : memref<16384x128xf32, #tpu.memory_space<hbm>> -> memref<64x128xf32, #tpu.memory_space<hbm>>
      %dma_start3A_147 = arith.constant 0 : i32
      %dma_start3A_148 = tpu.memref_slice %arg4[%add3A_132, %dma_start3A_147] : memref<16384x128xf32, #tpu.memory_space<hbm>> -> memref<64x128xf32, #tpu.memory_space<hbm>>
      tpu.enqueue_dma source(%arg10 : memref<64x128xf32, #tpu.memory_space<vmem>>) target(%dma_start3A_148 : memref<64x128xf32, #tpu.memory_space<hbm>>) target_semaphore(%run_scoped3A : memref<!tpu.dma_semaphore, #tpu.memory_space<semaphore_mem>>)
      %dma_wait3A_149 = arith.constant 0 : i32
      %dma_wait3A_150 = tpu.memref_slice %arg4[%add3A_132, %dma_wait3A_149] : memref<16384x128xf32, #tpu.memory_space<hbm>> -> memref<64x128xf32, #tpu.memory_space<hbm>>
      %dma_wait3A_151 = arith.constant 0 : i32
      %dma_wait3A_152 = tpu.memref_slice %arg4[%add3A_132, %dma_wait3A_151] : memref<16384x128xf32, #tpu.memory_space<hbm>> -> memref<64x128xf32, #tpu.memory_space<hbm>>
      tpu.wait_dma2 semaphore(%run_scoped3A : memref<!tpu.dma_semaphore, #tpu.memory_space<semaphore_mem>>) src(%arg10 : memref<64x128xf32, #tpu.memory_space<vmem>>) dst(%dma_wait3A_152 : memref<64x128xf32, #tpu.memory_space<hbm>>)
      tpu.yield
    }) : () -> ()
    %mul3A_133 = arith.constant 512 : i32
    %mul3A_134 = arith.muli %add3A, %mul3A_133 : i32
    %add3A_135 = arith.constant 320 : i32
    %add3A_136 = arith.addi %mul3A_134, %add3A_135 : i32
    "tpu.region"() ({
      %run_scoped3A = tpu.sem_alloc : memref<!tpu.dma_semaphore, #tpu.memory_space<semaphore_mem>>
      %dma_start3A_145 = arith.constant 0 : i32
      %dma_start3A_146 = tpu.memref_slice %arg4[%add3A_136, %dma_start3A_145] : memref<16384x128xf32, #tpu.memory_space<hbm>> -> memref<64x128xf32, #tpu.memory_space<hbm>>
      %dma_start3A_147 = arith.constant 0 : i32
      %dma_start3A_148 = tpu.memref_slice %arg4[%add3A_136, %dma_start3A_147] : memref<16384x128xf32, #tpu.memory_space<hbm>> -> memref<64x128xf32, #tpu.memory_space<hbm>>
      tpu.enqueue_dma source(%arg11 : memref<64x128xf32, #tpu.memory_space<vmem>>) target(%dma_start3A_148 : memref<64x128xf32, #tpu.memory_space<hbm>>) target_semaphore(%run_scoped3A : memref<!tpu.dma_semaphore, #tpu.memory_space<semaphore_mem>>)
      %dma_wait3A_149 = arith.constant 0 : i32
      %dma_wait3A_150 = tpu.memref_slice %arg4[%add3A_136, %dma_wait3A_149] : memref<16384x128xf32, #tpu.memory_space<hbm>> -> memref<64x128xf32, #tpu.memory_space<hbm>>
      %dma_wait3A_151 = arith.constant 0 : i32
      %dma_wait3A_152 = tpu.memref_slice %arg4[%add3A_136, %dma_wait3A_151] : memref<16384x128xf32, #tpu.memory_space<hbm>> -> memref<64x128xf32, #tpu.memory_space<hbm>>
      tpu.wait_dma2 semaphore(%run_scoped3A : memref<!tpu.dma_semaphore, #tpu.memory_space<semaphore_mem>>) src(%arg11 : memref<64x128xf32, #tpu.memory_space<vmem>>) dst(%dma_wait3A_152 : memref<64x128xf32, #tpu.memory_space<hbm>>)
      tpu.yield
    }) : () -> ()
    %mul3A_137 = arith.constant 512 : i32
    %mul3A_138 = arith.muli %add3A, %mul3A_137 : i32
    %add3A_139 = arith.constant 384 : i32
    %add3A_140 = arith.addi %mul3A_138, %add3A_139 : i32
    "tpu.region"() ({
      %run_scoped3A = tpu.sem_alloc : memref<!tpu.dma_semaphore, #tpu.memory_space<semaphore_mem>>
      %dma_start3A_145 = arith.constant 0 : i32
      %dma_start3A_146 = tpu.memref_slice %arg4[%add3A_140, %dma_start3A_145] : memref<16384x128xf32, #tpu.memory_space<hbm>> -> memref<64x128xf32, #tpu.memory_space<hbm>>
      %dma_start3A_147 = arith.constant 0 : i32
      %dma_start3A_148 = tpu.memref_slice %arg4[%add3A_140, %dma_start3A_147] : memref<16384x128xf32, #tpu.memory_space<hbm>> -> memref<64x128xf32, #tpu.memory_space<hbm>>
      tpu.enqueue_dma source(%arg12 : memref<64x128xf32, #tpu.memory_space<vmem>>) target(%dma_start3A_148 : memref<64x128xf32, #tpu.memory_space<hbm>>) target_semaphore(%run_scoped3A : memref<!tpu.dma_semaphore, #tpu.memory_space<semaphore_mem>>)
      %dma_wait3A_149 = arith.constant 0 : i32
      %dma_wait3A_150 = tpu.memref_slice %arg4[%add3A_140, %dma_wait3A_149] : memref<16384x128xf32, #tpu.memory_space<hbm>> -> memref<64x128xf32, #tpu.memory_space<hbm>>
      %dma_wait3A_151 = arith.constant 0 : i32
      %dma_wait3A_152 = tpu.memref_slice %arg4[%add3A_140, %dma_wait3A_151] : memref<16384x128xf32, #tpu.memory_space<hbm>> -> memref<64x128xf32, #tpu.memory_space<hbm>>
      tpu.wait_dma2 semaphore(%run_scoped3A : memref<!tpu.dma_semaphore, #tpu.memory_space<semaphore_mem>>) src(%arg12 : memref<64x128xf32, #tpu.memory_space<vmem>>) dst(%dma_wait3A_152 : memref<64x128xf32, #tpu.memory_space<hbm>>)
      tpu.yield
    }) : () -> ()
    %mul3A_141 = arith.constant 512 : i32
    %mul3A_142 = arith.muli %add3A, %mul3A_141 : i32
    %add3A_143 = arith.constant 448 : i32
    %add3A_144 = arith.addi %mul3A_142, %add3A_143 : i32
    "tpu.region"() ({
      %run_scoped3A = tpu.sem_alloc : memref<!tpu.dma_semaphore, #tpu.memory_space<semaphore_mem>>
      %dma_start3A_145 = arith.constant 0 : i32
      %dma_start3A_146 = tpu.memref_slice %arg4[%add3A_144, %dma_start3A_145] : memref<16384x128xf32, #tpu.memory_space<hbm>> -> memref<64x128xf32, #tpu.memory_space<hbm>>
      %dma_start3A_147 = arith.constant 0 : i32
      %dma_start3A_148 = tpu.memref_slice %arg4[%add3A_144, %dma_start3A_147] : memref<16384x128xf32, #tpu.memory_space<hbm>> -> memref<64x128xf32, #tpu.memory_space<hbm>>
      tpu.enqueue_dma source(%arg13 : memref<64x128xf32, #tpu.memory_space<vmem>>) target(%dma_start3A_148 : memref<64x128xf32, #tpu.memory_space<hbm>>) target_semaphore(%run_scoped3A : memref<!tpu.dma_semaphore, #tpu.memory_space<semaphore_mem>>)
      %dma_wait3A_149 = arith.constant 0 : i32
      %dma_wait3A_150 = tpu.memref_slice %arg4[%add3A_144, %dma_wait3A_149] : memref<16384x128xf32, #tpu.memory_space<hbm>> -> memref<64x128xf32, #tpu.memory_space<hbm>>
      %dma_wait3A_151 = arith.constant 0 : i32
      %dma_wait3A_152 = tpu.memref_slice %arg4[%add3A_144, %dma_wait3A_151] : memref<16384x128xf32, #tpu.memory_space<hbm>> -> memref<64x128xf32, #tpu.memory_space<hbm>>
      tpu.wait_dma2 semaphore(%run_scoped3A : memref<!tpu.dma_semaphore, #tpu.memory_space<semaphore_mem>>) src(%arg13 : memref<64x128xf32, #tpu.memory_space<vmem>>) dst(%dma_wait3A_152 : memref<64x128xf32, #tpu.memory_space<hbm>>)
      tpu.yield
    }) : () -> ()
    "tpu.trace_stop"() : () -> ()
    return
  }
}

module attributes {stable_mosaic.version = 14 : i64} {
  func.func @_encode_argmin_body(%arg0: i32, %arg1: memref<256x768xf32, #tpu.memory_space<vmem>>, %arg2: memref<64x768xf32, #tpu.memory_space<vmem>>, %arg3: memref<1x64xf32, #tpu.memory_space<vmem>>, %arg4: memref<128x64xf32, #tpu.memory_space<vmem>>, %arg5: memref<1x128xf32, #tpu.memory_space<vmem>>, %arg6: memref<64x128xf32, #tpu.memory_space<vmem>>, %arg7: memref<1x64xf32, #tpu.memory_space<vmem>>, %arg8: memref<64x1xf32, #tpu.memory_space<vmem>>, %arg9: memref<8192x64xf32, #tpu.memory_space<vmem>>, %arg10: memref<256x1xi32, #tpu.memory_space<vmem>>) attributes {dimension_semantics = [#tpu.dimension_semantics<arbitrary>], iteration_bounds = array<i64: 64>, scalar_prefetch = 0 : i64, scratch_operands = 0 : i64, tpu.core_type = #tpu.core_type<tc>, window_params = [{transform_indices = @transform_0, window_bounds = array<i64: 256, 768>}, {pipeline_mode = #tpu.pipeline_mode<synchronous>, transform_indices = @transform_1, window_bounds = array<i64: 64, 768>}, {pipeline_mode = #tpu.pipeline_mode<synchronous>, transform_indices = @transform_2, window_bounds = array<i64: 1, 64>}, {pipeline_mode = #tpu.pipeline_mode<synchronous>, transform_indices = @transform_3, window_bounds = array<i64: 128, 64>}, {pipeline_mode = #tpu.pipeline_mode<synchronous>, transform_indices = @transform_4, window_bounds = array<i64: 1, 128>}, {pipeline_mode = #tpu.pipeline_mode<synchronous>, transform_indices = @transform_5, window_bounds = array<i64: 64, 128>}, {pipeline_mode = #tpu.pipeline_mode<synchronous>, transform_indices = @transform_6, window_bounds = array<i64: 1, 64>}, {pipeline_mode = #tpu.pipeline_mode<synchronous>, transform_indices = @transform_7, window_bounds = array<i64: 64, 1>}, {pipeline_mode = #tpu.pipeline_mode<synchronous>, transform_indices = @transform_8, window_bounds = array<i64: 8192, 64>}, {transform_indices = @transform_9, window_bounds = array<i64: 256, 1>}]} {
    %get3A = arith.constant 0 : index
    %get3A_0 = arith.constant 0 : index
    %get3A_1 = vector.load %arg1[%get3A, %get3A_0] : memref<256x768xf32, #tpu.memory_space<vmem>>, vector<256x768xf32>
    %get3A_2 = arith.constant 0 : index
    %get3A_3 = arith.constant 0 : index
    %get3A_4 = vector.load %arg2[%get3A_2, %get3A_3] : memref<64x768xf32, #tpu.memory_space<vmem>>, vector<64x768xf32>
    %convert_element_type3A = arith.truncf %get3A_1 : vector<256x768xf32> to vector<256x768xbf16>
    %convert_element_type3A_5 = arith.truncf %get3A_4 : vector<64x768xf32> to vector<64x768xbf16>
    %dot_general3A = arith.constant dense<0.000000e+00> : vector<256x64xf32>
    %dot_general3A_6 = tpu.matmul %convert_element_type3A, %convert_element_type3A_5, %dot_general3A {dimension_numbers = #tpu.dot_dimension_numbers<[1], [1], [0], [0], [0, 0, 1, 0], [], []>, transpose_lhs_hint = false} : vector<256x768xbf16>, vector<64x768xbf16>, vector<256x64xf32> -> vector<256x64xf32>
    %get3A_7 = arith.constant 0 : index
    %get3A_8 = arith.constant 0 : index
    %get3A_9 = vector.load %arg3[%get3A_7, %get3A_8] : memref<1x64xf32, #tpu.memory_space<vmem>>, vector<1x64xf32>
    %add3A = vector.broadcast %get3A_9 : vector<1x64xf32> to vector<256x64xf32>
    %add3A_10 = arith.addf %dot_general3A_6, %add3A : vector<256x64xf32>
    %integer_pow3A = arith.mulf %add3A_10, %add3A_10 : vector<256x64xf32>
    %integer_pow3A_11 = arith.mulf %add3A_10, %integer_pow3A : vector<256x64xf32>
    %mul3A = arith.constant 4.471500e-02 : f32
    %mul3A_12 = vector.broadcast %mul3A : f32 to vector<256x64xf32>
    %mul3A_13 = arith.mulf %mul3A_12, %integer_pow3A_11 : vector<256x64xf32>
    %add3A_14 = arith.addf %add3A_10, %mul3A_13 : vector<256x64xf32>
    %mul3A_15 = arith.constant 0.797884583 : f32
    %mul3A_16 = vector.broadcast %mul3A_15 : f32 to vector<256x64xf32>
    %mul3A_17 = arith.mulf %mul3A_16, %add3A_14 : vector<256x64xf32>
    %tanh3A = math.tanh %mul3A_17 : vector<256x64xf32>
    %add3A_18 = arith.constant 1.000000e+00 : f32
    %add3A_19 = vector.broadcast %add3A_18 : f32 to vector<256x64xf32>
    %add3A_20 = arith.addf %add3A_19, %tanh3A : vector<256x64xf32>
    %mul3A_21 = arith.constant 5.000000e-01 : f32
    %mul3A_22 = vector.broadcast %mul3A_21 : f32 to vector<256x64xf32>
    %mul3A_23 = arith.mulf %mul3A_22, %add3A_20 : vector<256x64xf32>
    %mul3A_24 = arith.mulf %add3A_10, %mul3A_23 : vector<256x64xf32>
    %get3A_25 = arith.constant 0 : index
    %get3A_26 = arith.constant 0 : index
    %get3A_27 = vector.load %arg4[%get3A_25, %get3A_26] : memref<128x64xf32, #tpu.memory_space<vmem>>, vector<128x64xf32>
    %convert_element_type3A_28 = arith.truncf %mul3A_24 : vector<256x64xf32> to vector<256x64xbf16>
    %convert_element_type3A_29 = arith.truncf %get3A_27 : vector<128x64xf32> to vector<128x64xbf16>
    %dot_general3A_30 = arith.constant dense<0.000000e+00> : vector<256x128xf32>
    %dot_general3A_31 = tpu.matmul %convert_element_type3A_28, %convert_element_type3A_29, %dot_general3A_30 {dimension_numbers = #tpu.dot_dimension_numbers<[1], [1], [0], [0], [0, 0, 1, 0], [], []>, transpose_lhs_hint = false} : vector<256x64xbf16>, vector<128x64xbf16>, vector<256x128xf32> -> vector<256x128xf32>
    %get3A_32 = arith.constant 0 : index
    %get3A_33 = arith.constant 0 : index
    %get3A_34 = vector.load %arg5[%get3A_32, %get3A_33] : memref<1x128xf32, #tpu.memory_space<vmem>>, vector<1x128xf32>
    %add3A_35 = vector.broadcast %get3A_34 : vector<1x128xf32> to vector<256x128xf32>
    %add3A_36 = arith.addf %dot_general3A_31, %add3A_35 : vector<256x128xf32>
    %integer_pow3A_37 = arith.mulf %add3A_36, %add3A_36 : vector<256x128xf32>
    %integer_pow3A_38 = arith.mulf %add3A_36, %integer_pow3A_37 : vector<256x128xf32>
    %mul3A_39 = arith.constant 4.471500e-02 : f32
    %mul3A_40 = vector.broadcast %mul3A_39 : f32 to vector<256x128xf32>
    %mul3A_41 = arith.mulf %mul3A_40, %integer_pow3A_38 : vector<256x128xf32>
    %add3A_42 = arith.addf %add3A_36, %mul3A_41 : vector<256x128xf32>
    %mul3A_43 = arith.constant 0.797884583 : f32
    %mul3A_44 = vector.broadcast %mul3A_43 : f32 to vector<256x128xf32>
    %mul3A_45 = arith.mulf %mul3A_44, %add3A_42 : vector<256x128xf32>
    %tanh3A_46 = math.tanh %mul3A_45 : vector<256x128xf32>
    %add3A_47 = arith.constant 1.000000e+00 : f32
    %add3A_48 = vector.broadcast %add3A_47 : f32 to vector<256x128xf32>
    %add3A_49 = arith.addf %add3A_48, %tanh3A_46 : vector<256x128xf32>
    %mul3A_50 = arith.constant 5.000000e-01 : f32
    %mul3A_51 = vector.broadcast %mul3A_50 : f32 to vector<256x128xf32>
    %mul3A_52 = arith.mulf %mul3A_51, %add3A_49 : vector<256x128xf32>
    %mul3A_53 = arith.mulf %add3A_36, %mul3A_52 : vector<256x128xf32>
    %get3A_54 = arith.constant 0 : index
    %get3A_55 = arith.constant 0 : index
    %get3A_56 = vector.load %arg6[%get3A_54, %get3A_55] : memref<64x128xf32, #tpu.memory_space<vmem>>, vector<64x128xf32>
    %abs3A = math.absf %get3A_56 : vector<64x128xf32>
    %reduce_sum3A = arith.constant dense<0.000000e+00> : vector<64xf32>
    %reduce_sum3A_57 = vector.multi_reduction <add>, %abs3A, %reduce_sum3A [1] : vector<64x128xf32> to vector<64xf32>
    %broadcast_in_dim3A = vector.shape_cast %reduce_sum3A_57 : vector<64xf32> to vector<64x1xf32>
    %get3A_58 = arith.constant 0 : index
    %get3A_59 = arith.constant 0 : index
    %get3A_60 = vector.load %arg8[%get3A_58, %get3A_59] : memref<64x1xf32, #tpu.memory_space<vmem>>, vector<64x1xf32>
    %custom_jvp_call3A = arith.constant 0.000000e+00 : f32
    %max3A = vector.broadcast %custom_jvp_call3A : f32 to vector<64x1xf32>
    %max3A_61 = arith.maximumf %get3A_60, %max3A : vector<64x1xf32>
    %sub3A = vector.broadcast %custom_jvp_call3A : f32 to vector<64x1xf32>
    %sub3A_62 = arith.subf %get3A_60, %sub3A : vector<64x1xf32>
    %ne3A = arith.cmpf one, %sub3A_62, %sub3A_62 : vector<64x1xf32>
    %add3A_63 = vector.broadcast %custom_jvp_call3A : f32 to vector<64x1xf32>
    %add3A_64 = arith.addf %get3A_60, %add3A_63 : vector<64x1xf32>
    %abs3A_65 = math.absf %sub3A_62 : vector<64x1xf32>
    %neg3A = arith.constant 0.000000e+00 : f32
    %neg3A_66 = vector.broadcast %neg3A : f32 to vector<64x1xf32>
    %neg3A_67 = arith.subf %neg3A_66, %abs3A_65 : vector<64x1xf32>
    %exp3A = math.exp %neg3A_67 : vector<64x1xf32>
    %log1p3A = math.log1p %exp3A : vector<64x1xf32>
    %add3A_68 = arith.addf %max3A_61, %log1p3A : vector<64x1xf32>
    %select_n3A = arith.select %ne3A, %add3A_64, %add3A_68 : vector<64x1xi1>, vector<64x1xf32>
    %div3A = arith.divf %select_n3A, %broadcast_in_dim3A : vector<64x1xf32>
    %min3A = arith.constant 1.000000e+00 : f32
    %min3A_69 = vector.broadcast %min3A : f32 to vector<64x1xf32>
    %min3A_70 = arith.minimumf %min3A_69, %div3A : vector<64x1xf32>
    %mul3A_71 = vector.broadcast %min3A_70 : vector<64x1xf32> to vector<64x128xf32>
    %mul3A_72 = arith.mulf %get3A_56, %mul3A_71 : vector<64x128xf32>
    %convert_element_type3A_73 = arith.truncf %mul3A_53 : vector<256x128xf32> to vector<256x128xbf16>
    %convert_element_type3A_74 = arith.truncf %mul3A_72 : vector<64x128xf32> to vector<64x128xbf16>
    %dot_general3A_75 = arith.constant dense<0.000000e+00> : vector<256x64xf32>
    %dot_general3A_76 = tpu.matmul %convert_element_type3A_73, %convert_element_type3A_74, %dot_general3A_75 {dimension_numbers = #tpu.dot_dimension_numbers<[1], [1], [0], [0], [0, 0, 1, 0], [], []>, transpose_lhs_hint = false} : vector<256x128xbf16>, vector<64x128xbf16>, vector<256x64xf32> -> vector<256x64xf32>
    %get3A_77 = arith.constant 0 : index
    %get3A_78 = arith.constant 0 : index
    %get3A_79 = vector.load %arg7[%get3A_77, %get3A_78] : memref<1x64xf32, #tpu.memory_space<vmem>>, vector<1x64xf32>
    %add3A_80 = vector.broadcast %get3A_79 : vector<1x64xf32> to vector<256x64xf32>
    %add3A_81 = arith.addf %dot_general3A_76, %add3A_80 : vector<256x64xf32>
    %logistic3A = arith.negf %add3A_81 : vector<256x64xf32>
    %logistic3A_82 = math.exp %logistic3A : vector<256x64xf32>
    %logistic3A_83 = arith.constant 1.000000e+00 : f32
    %logistic3A_84 = vector.broadcast %logistic3A_83 : f32 to vector<256x64xf32>
    %logistic3A_85 = arith.addf %logistic3A_84, %logistic3A_82 : vector<256x64xf32>
    %logistic3A_86 = arith.divf %logistic3A_84, %logistic3A_85 : vector<256x64xf32>
    %mul3A_87 = arith.mulf %logistic3A_86, %logistic3A_86 : vector<256x64xf32>
    %reduce_sum3A_88 = arith.constant dense<0.000000e+00> : vector<256xf32>
    %reduce_sum3A_89 = vector.multi_reduction <add>, %mul3A_87, %reduce_sum3A_88 [1] : vector<256x64xf32> to vector<256xf32>
    %broadcast_in_dim3A_90 = vector.shape_cast %reduce_sum3A_89 : vector<256xf32> to vector<256x1xf32>
    %iota3A = tpu.iota {dimensions = array<i32: 1>} : vector<256x2048xi32>
    %broadcast_in_dim3A_91 = arith.constant 0x7F800000 : f32
    %broadcast_in_dim3A_92 = vector.broadcast %broadcast_in_dim3A_91 : f32 to vector<256x1xf32>
    %broadcast_in_dim3A_93 = arith.constant 0 : i32
    %broadcast_in_dim3A_94 = vector.broadcast %broadcast_in_dim3A_93 : i32 to vector<256x1xi32>
    %get3A_95 = arith.constant 0 : index
    %get3A_96 = arith.constant 0 : index
    %get3A_97 = vector.load %arg9[%get3A_95, %get3A_96] : memref<8192x64xf32, #tpu.memory_space<vmem>>, vector<2048x64xf32>
    %mul3A_98 = arith.mulf %get3A_97, %get3A_97 : vector<2048x64xf32>
    %reduce_sum3A_99 = arith.constant dense<0.000000e+00> : vector<2048xf32>
    %reduce_sum3A_100 = vector.multi_reduction <add>, %mul3A_98, %reduce_sum3A_99 [1] : vector<2048x64xf32> to vector<2048xf32>
    %broadcast_in_dim3A_101 = vector.shape_cast %reduce_sum3A_100 : vector<2048xf32> to vector<2048x1xf32>
    %transpose3A = tpu.transpose %broadcast_in_dim3A_101, [1, 0] : vector<2048x1xf32> -> vector<1x2048xf32>
    %add3A_102 = vector.broadcast %broadcast_in_dim3A_90 : vector<256x1xf32> to vector<256x2048xf32>
    %add3A_103 = vector.broadcast %transpose3A : vector<1x2048xf32> to vector<256x2048xf32>
    %add3A_104 = arith.addf %add3A_102, %add3A_103 : vector<256x2048xf32>
    %convert_element_type3A_105 = arith.truncf %logistic3A_86 : vector<256x64xf32> to vector<256x64xbf16>
    %convert_element_type3A_106 = arith.truncf %get3A_97 : vector<2048x64xf32> to vector<2048x64xbf16>
    %dot_general3A_107 = arith.constant dense<0.000000e+00> : vector<256x2048xf32>
    %dot_general3A_108 = tpu.matmul %convert_element_type3A_105, %convert_element_type3A_106, %dot_general3A_107 {dimension_numbers = #tpu.dot_dimension_numbers<[1], [1], [0], [0], [0, 0, 1, 0], [], []>, transpose_lhs_hint = false} : vector<256x64xbf16>, vector<2048x64xbf16>, vector<256x2048xf32> -> vector<256x2048xf32>
    %mul3A_109 = arith.constant 2.000000e+00 : f32
    %mul3A_110 = vector.broadcast %mul3A_109 : f32 to vector<256x2048xf32>
    %mul3A_111 = arith.mulf %mul3A_110, %dot_general3A_108 : vector<256x2048xf32>
    %sub3A_112 = arith.subf %add3A_104, %mul3A_111 : vector<256x2048xf32>
    %reduce_min3A = arith.constant dense<0x7F800000> : vector<256xf32>
    %reduce_min3A_113 = vector.multi_reduction <minimumf>, %sub3A_112, %reduce_min3A [1] : vector<256x2048xf32> to vector<256xf32>
    %broadcast_in_dim3A_114 = vector.shape_cast %reduce_min3A_113 : vector<256xf32> to vector<256x1xf32>
    %eq3A = vector.broadcast %broadcast_in_dim3A_114 : vector<256x1xf32> to vector<256x2048xf32>
    %eq3A_115 = arith.cmpf oeq, %sub3A_112, %eq3A : vector<256x2048xf32>
    %jit3A = arith.constant 1073741824 : i32
    %broadcast_in_dim3A_116 = vector.broadcast %jit3A : i32 to vector<256x2048xi32>
    %select_n3A_117 = arith.select %eq3A_115, %iota3A, %broadcast_in_dim3A_116 : vector<256x2048xi1>, vector<256x2048xi32>
    %reduce_min3A_118 = arith.constant dense<2147483647> : vector<256xi32>
    %reduce_min3A_119 = vector.multi_reduction <minsi>, %select_n3A_117, %reduce_min3A_118 [1] : vector<256x2048xi32> to vector<256xi32>
    %broadcast_in_dim3A_120 = vector.shape_cast %reduce_min3A_119 : vector<256xi32> to vector<256x1xi32>
    %lt3A = arith.cmpf olt, %broadcast_in_dim3A_114, %broadcast_in_dim3A_92 : vector<256x1xf32>
    %add3A_121 = arith.constant 0 : i32
    %add3A_122 = vector.broadcast %add3A_121 : i32 to vector<256x1xi32>
    %add3A_123 = arith.addi %broadcast_in_dim3A_120, %add3A_122 : vector<256x1xi32>
    %select_n3A_124 = arith.select %lt3A, %add3A_123, %broadcast_in_dim3A_94 : vector<256x1xi1>, vector<256x1xi32>
    %select_n3A_125 = arith.select %lt3A, %broadcast_in_dim3A_114, %broadcast_in_dim3A_92 : vector<256x1xi1>, vector<256x1xf32>
    %get3A_126 = arith.constant 2048 : index
    %get3A_127 = arith.constant 0 : index
    %get3A_128 = vector.load %arg9[%get3A_126, %get3A_127] : memref<8192x64xf32, #tpu.memory_space<vmem>>, vector<2048x64xf32>
    %mul3A_129 = arith.mulf %get3A_128, %get3A_128 : vector<2048x64xf32>
    %reduce_sum3A_130 = arith.constant dense<0.000000e+00> : vector<2048xf32>
    %reduce_sum3A_131 = vector.multi_reduction <add>, %mul3A_129, %reduce_sum3A_130 [1] : vector<2048x64xf32> to vector<2048xf32>
    %broadcast_in_dim3A_132 = vector.shape_cast %reduce_sum3A_131 : vector<2048xf32> to vector<2048x1xf32>
    %transpose3A_133 = tpu.transpose %broadcast_in_dim3A_132, [1, 0] : vector<2048x1xf32> -> vector<1x2048xf32>
    %add3A_134 = vector.broadcast %broadcast_in_dim3A_90 : vector<256x1xf32> to vector<256x2048xf32>
    %add3A_135 = vector.broadcast %transpose3A_133 : vector<1x2048xf32> to vector<256x2048xf32>
    %add3A_136 = arith.addf %add3A_134, %add3A_135 : vector<256x2048xf32>
    %convert_element_type3A_137 = arith.truncf %logistic3A_86 : vector<256x64xf32> to vector<256x64xbf16>
    %convert_element_type3A_138 = arith.truncf %get3A_128 : vector<2048x64xf32> to vector<2048x64xbf16>
    %dot_general3A_139 = arith.constant dense<0.000000e+00> : vector<256x2048xf32>
    %dot_general3A_140 = tpu.matmul %convert_element_type3A_137, %convert_element_type3A_138, %dot_general3A_139 {dimension_numbers = #tpu.dot_dimension_numbers<[1], [1], [0], [0], [0, 0, 1, 0], [], []>, transpose_lhs_hint = false} : vector<256x64xbf16>, vector<2048x64xbf16>, vector<256x2048xf32> -> vector<256x2048xf32>
    %mul3A_141 = arith.constant 2.000000e+00 : f32
    %mul3A_142 = vector.broadcast %mul3A_141 : f32 to vector<256x2048xf32>
    %mul3A_143 = arith.mulf %mul3A_142, %dot_general3A_140 : vector<256x2048xf32>
    %sub3A_144 = arith.subf %add3A_136, %mul3A_143 : vector<256x2048xf32>
    %reduce_min3A_145 = arith.constant dense<0x7F800000> : vector<256xf32>
    %reduce_min3A_146 = vector.multi_reduction <minimumf>, %sub3A_144, %reduce_min3A_145 [1] : vector<256x2048xf32> to vector<256xf32>
    %broadcast_in_dim3A_147 = vector.shape_cast %reduce_min3A_146 : vector<256xf32> to vector<256x1xf32>
    %eq3A_148 = vector.broadcast %broadcast_in_dim3A_147 : vector<256x1xf32> to vector<256x2048xf32>
    %eq3A_149 = arith.cmpf oeq, %sub3A_144, %eq3A_148 : vector<256x2048xf32>
    %jit3A_150 = arith.constant 1073741824 : i32
    %broadcast_in_dim3A_151 = vector.broadcast %jit3A_150 : i32 to vector<256x2048xi32>
    %select_n3A_152 = arith.select %eq3A_149, %iota3A, %broadcast_in_dim3A_151 : vector<256x2048xi1>, vector<256x2048xi32>
    %reduce_min3A_153 = arith.constant dense<2147483647> : vector<256xi32>
    %reduce_min3A_154 = vector.multi_reduction <minsi>, %select_n3A_152, %reduce_min3A_153 [1] : vector<256x2048xi32> to vector<256xi32>
    %broadcast_in_dim3A_155 = vector.shape_cast %reduce_min3A_154 : vector<256xi32> to vector<256x1xi32>
    %lt3A_156 = arith.cmpf olt, %broadcast_in_dim3A_147, %select_n3A_125 : vector<256x1xf32>
    %add3A_157 = arith.constant 2048 : i32
    %add3A_158 = vector.broadcast %add3A_157 : i32 to vector<256x1xi32>
    %add3A_159 = arith.addi %broadcast_in_dim3A_155, %add3A_158 : vector<256x1xi32>
    %select_n3A_160 = arith.select %lt3A_156, %add3A_159, %select_n3A_124 : vector<256x1xi1>, vector<256x1xi32>
    %select_n3A_161 = arith.select %lt3A_156, %broadcast_in_dim3A_147, %select_n3A_125 : vector<256x1xi1>, vector<256x1xf32>
    %get3A_162 = arith.constant 4096 : index
    %get3A_163 = arith.constant 0 : index
    %get3A_164 = vector.load %arg9[%get3A_162, %get3A_163] : memref<8192x64xf32, #tpu.memory_space<vmem>>, vector<2048x64xf32>
    %mul3A_165 = arith.mulf %get3A_164, %get3A_164 : vector<2048x64xf32>
    %reduce_sum3A_166 = arith.constant dense<0.000000e+00> : vector<2048xf32>
    %reduce_sum3A_167 = vector.multi_reduction <add>, %mul3A_165, %reduce_sum3A_166 [1] : vector<2048x64xf32> to vector<2048xf32>
    %broadcast_in_dim3A_168 = vector.shape_cast %reduce_sum3A_167 : vector<2048xf32> to vector<2048x1xf32>
    %transpose3A_169 = tpu.transpose %broadcast_in_dim3A_168, [1, 0] : vector<2048x1xf32> -> vector<1x2048xf32>
    %add3A_170 = vector.broadcast %broadcast_in_dim3A_90 : vector<256x1xf32> to vector<256x2048xf32>
    %add3A_171 = vector.broadcast %transpose3A_169 : vector<1x2048xf32> to vector<256x2048xf32>
    %add3A_172 = arith.addf %add3A_170, %add3A_171 : vector<256x2048xf32>
    %convert_element_type3A_173 = arith.truncf %logistic3A_86 : vector<256x64xf32> to vector<256x64xbf16>
    %convert_element_type3A_174 = arith.truncf %get3A_164 : vector<2048x64xf32> to vector<2048x64xbf16>
    %dot_general3A_175 = arith.constant dense<0.000000e+00> : vector<256x2048xf32>
    %dot_general3A_176 = tpu.matmul %convert_element_type3A_173, %convert_element_type3A_174, %dot_general3A_175 {dimension_numbers = #tpu.dot_dimension_numbers<[1], [1], [0], [0], [0, 0, 1, 0], [], []>, transpose_lhs_hint = false} : vector<256x64xbf16>, vector<2048x64xbf16>, vector<256x2048xf32> -> vector<256x2048xf32>
    %mul3A_177 = arith.constant 2.000000e+00 : f32
    %mul3A_178 = vector.broadcast %mul3A_177 : f32 to vector<256x2048xf32>
    %mul3A_179 = arith.mulf %mul3A_178, %dot_general3A_176 : vector<256x2048xf32>
    %sub3A_180 = arith.subf %add3A_172, %mul3A_179 : vector<256x2048xf32>
    %reduce_min3A_181 = arith.constant dense<0x7F800000> : vector<256xf32>
    %reduce_min3A_182 = vector.multi_reduction <minimumf>, %sub3A_180, %reduce_min3A_181 [1] : vector<256x2048xf32> to vector<256xf32>
    %broadcast_in_dim3A_183 = vector.shape_cast %reduce_min3A_182 : vector<256xf32> to vector<256x1xf32>
    %eq3A_184 = vector.broadcast %broadcast_in_dim3A_183 : vector<256x1xf32> to vector<256x2048xf32>
    %eq3A_185 = arith.cmpf oeq, %sub3A_180, %eq3A_184 : vector<256x2048xf32>
    %jit3A_186 = arith.constant 1073741824 : i32
    %broadcast_in_dim3A_187 = vector.broadcast %jit3A_186 : i32 to vector<256x2048xi32>
    %select_n3A_188 = arith.select %eq3A_185, %iota3A, %broadcast_in_dim3A_187 : vector<256x2048xi1>, vector<256x2048xi32>
    %reduce_min3A_189 = arith.constant dense<2147483647> : vector<256xi32>
    %reduce_min3A_190 = vector.multi_reduction <minsi>, %select_n3A_188, %reduce_min3A_189 [1] : vector<256x2048xi32> to vector<256xi32>
    %broadcast_in_dim3A_191 = vector.shape_cast %reduce_min3A_190 : vector<256xi32> to vector<256x1xi32>
    %lt3A_192 = arith.cmpf olt, %broadcast_in_dim3A_183, %select_n3A_161 : vector<256x1xf32>
    %add3A_193 = arith.constant 4096 : i32
    %add3A_194 = vector.broadcast %add3A_193 : i32 to vector<256x1xi32>
    %add3A_195 = arith.addi %broadcast_in_dim3A_191, %add3A_194 : vector<256x1xi32>
    %select_n3A_196 = arith.select %lt3A_192, %add3A_195, %select_n3A_160 : vector<256x1xi1>, vector<256x1xi32>
    %select_n3A_197 = arith.select %lt3A_192, %broadcast_in_dim3A_183, %select_n3A_161 : vector<256x1xi1>, vector<256x1xf32>
    %get3A_198 = arith.constant 6144 : index
    %get3A_199 = arith.constant 0 : index
    %get3A_200 = vector.load %arg9[%get3A_198, %get3A_199] : memref<8192x64xf32, #tpu.memory_space<vmem>>, vector<2048x64xf32>
    %mul3A_201 = arith.mulf %get3A_200, %get3A_200 : vector<2048x64xf32>
    %reduce_sum3A_202 = arith.constant dense<0.000000e+00> : vector<2048xf32>
    %reduce_sum3A_203 = vector.multi_reduction <add>, %mul3A_201, %reduce_sum3A_202 [1] : vector<2048x64xf32> to vector<2048xf32>
    %broadcast_in_dim3A_204 = vector.shape_cast %reduce_sum3A_203 : vector<2048xf32> to vector<2048x1xf32>
    %transpose3A_205 = tpu.transpose %broadcast_in_dim3A_204, [1, 0] : vector<2048x1xf32> -> vector<1x2048xf32>
    %add3A_206 = vector.broadcast %broadcast_in_dim3A_90 : vector<256x1xf32> to vector<256x2048xf32>
    %add3A_207 = vector.broadcast %transpose3A_205 : vector<1x2048xf32> to vector<256x2048xf32>
    %add3A_208 = arith.addf %add3A_206, %add3A_207 : vector<256x2048xf32>
    %convert_element_type3A_209 = arith.truncf %logistic3A_86 : vector<256x64xf32> to vector<256x64xbf16>
    %convert_element_type3A_210 = arith.truncf %get3A_200 : vector<2048x64xf32> to vector<2048x64xbf16>
    %dot_general3A_211 = arith.constant dense<0.000000e+00> : vector<256x2048xf32>
    %dot_general3A_212 = tpu.matmul %convert_element_type3A_209, %convert_element_type3A_210, %dot_general3A_211 {dimension_numbers = #tpu.dot_dimension_numbers<[1], [1], [0], [0], [0, 0, 1, 0], [], []>, transpose_lhs_hint = false} : vector<256x64xbf16>, vector<2048x64xbf16>, vector<256x2048xf32> -> vector<256x2048xf32>
    %mul3A_213 = arith.constant 2.000000e+00 : f32
    %mul3A_214 = vector.broadcast %mul3A_213 : f32 to vector<256x2048xf32>
    %mul3A_215 = arith.mulf %mul3A_214, %dot_general3A_212 : vector<256x2048xf32>
    %sub3A_216 = arith.subf %add3A_208, %mul3A_215 : vector<256x2048xf32>
    %reduce_min3A_217 = arith.constant dense<0x7F800000> : vector<256xf32>
    %reduce_min3A_218 = vector.multi_reduction <minimumf>, %sub3A_216, %reduce_min3A_217 [1] : vector<256x2048xf32> to vector<256xf32>
    %broadcast_in_dim3A_219 = vector.shape_cast %reduce_min3A_218 : vector<256xf32> to vector<256x1xf32>
    %eq3A_220 = vector.broadcast %broadcast_in_dim3A_219 : vector<256x1xf32> to vector<256x2048xf32>
    %eq3A_221 = arith.cmpf oeq, %sub3A_216, %eq3A_220 : vector<256x2048xf32>
    %jit3A_222 = arith.constant 1073741824 : i32
    %broadcast_in_dim3A_223 = vector.broadcast %jit3A_222 : i32 to vector<256x2048xi32>
    %select_n3A_224 = arith.select %eq3A_221, %iota3A, %broadcast_in_dim3A_223 : vector<256x2048xi1>, vector<256x2048xi32>
    %reduce_min3A_225 = arith.constant dense<2147483647> : vector<256xi32>
    %reduce_min3A_226 = vector.multi_reduction <minsi>, %select_n3A_224, %reduce_min3A_225 [1] : vector<256x2048xi32> to vector<256xi32>
    %broadcast_in_dim3A_227 = vector.shape_cast %reduce_min3A_226 : vector<256xi32> to vector<256x1xi32>
    %lt3A_228 = arith.cmpf olt, %broadcast_in_dim3A_219, %select_n3A_197 : vector<256x1xf32>
    %add3A_229 = arith.constant 6144 : i32
    %add3A_230 = vector.broadcast %add3A_229 : i32 to vector<256x1xi32>
    %add3A_231 = arith.addi %broadcast_in_dim3A_227, %add3A_230 : vector<256x1xi32>
    %select_n3A_232 = arith.select %lt3A_228, %add3A_231, %select_n3A_196 : vector<256x1xi1>, vector<256x1xi32>
    %swap3A = arith.constant 0 : index
    %swap3A_233 = arith.constant 0 : index
    %swap3A_234 = vector.load %arg10[%swap3A, %swap3A_233] : memref<256x1xi32, #tpu.memory_space<vmem>>, vector<256x1xi32>
    tpu.vector_store %arg10[%swap3A, %swap3A_233], %select_n3A_232 {strides = array<i32>} : memref<256x1xi32, #tpu.memory_space<vmem>>, vector<256x1xi32>,
    return
  }
  func.func @transform_0(%arg0: i32) -> (i32, i32) {
    %c0_i32 = arith.constant 0 : i32
    %c0_i32_0 = arith.constant 0 : i32
    return %arg0, %c0_i32 : i32, i32
  }
  func.func @transform_1(%arg0: i32) -> (i32, i32) {
    %c0_i32 = arith.constant 0 : i32
    %c0_i32_0 = arith.constant 0 : i32
    %c0_i32_1 = arith.constant 0 : i32
    return %c0_i32, %c0_i32_0 : i32, i32
  }
  func.func @transform_2(%arg0: i32) -> (i32, i32) {
    %c0_i32 = arith.constant 0 : i32
    %c0_i32_0 = arith.constant 0 : i32
    %c0_i32_1 = arith.constant 0 : i32
    return %c0_i32, %c0_i32_0 : i32, i32
  }
  func.func @transform_3(%arg0: i32) -> (i32, i32) {
    %c0_i32 = arith.constant 0 : i32
    %c0_i32_0 = arith.constant 0 : i32
    %c0_i32_1 = arith.constant 0 : i32
    return %c0_i32, %c0_i32_0 : i32, i32
  }
  func.func @transform_4(%arg0: i32) -> (i32, i32) {
    %c0_i32 = arith.constant 0 : i32
    %c0_i32_0 = arith.constant 0 : i32
    %c0_i32_1 = arith.constant 0 : i32
    return %c0_i32, %c0_i32_0 : i32, i32
  }
  func.func @transform_5(%arg0: i32) -> (i32, i32) {
    %c0_i32 = arith.constant 0 : i32
    %c0_i32_0 = arith.constant 0 : i32
    %c0_i32_1 = arith.constant 0 : i32
    return %c0_i32, %c0_i32_0 : i32, i32
  }
  func.func @transform_6(%arg0: i32) -> (i32, i32) {
    %c0_i32 = arith.constant 0 : i32
    %c0_i32_0 = arith.constant 0 : i32
    %c0_i32_1 = arith.constant 0 : i32
    return %c0_i32, %c0_i32_0 : i32, i32
  }
  func.func @transform_7(%arg0: i32) -> (i32, i32) {
    %c0_i32 = arith.constant 0 : i32
    %c0_i32_0 = arith.constant 0 : i32
    %c0_i32_1 = arith.constant 0 : i32
    return %c0_i32, %c0_i32_0 : i32, i32
  }
  func.func @transform_8(%arg0: i32) -> (i32, i32) {
    %c0_i32 = arith.constant 0 : i32
    %c0_i32_0 = arith.constant 0 : i32
    %c0_i32_1 = arith.constant 0 : i32
    return %c0_i32, %c0_i32_0 : i32, i32
  }
  func.func @transform_9(%arg0: i32) -> (i32, i32) {
    %c0_i32 = arith.constant 0 : i32
    %c0_i32_0 = arith.constant 0 : i32
    return %arg0, %c0_i32 : i32, i32
  }
}

module attributes {stable_mosaic.version = 14 : i64} {
  func.func @_prep_body(%arg0: i32, %arg1: memref<1024x64xf32, #tpu.memory_space<vmem>>, %arg2: memref<32x64xf32, #tpu.memory_space<vmem>>, %arg3: memref<1x32xf32, #tpu.memory_space<vmem>>, %arg4: memref<32x1xf32, #tpu.memory_space<vmem>>, %arg5: memref<1024x32xf32, #tpu.memory_space<vmem>>, %arg6: memref<1024x128xf32, #tpu.memory_space<vmem>>) attributes {dimension_semantics = [#tpu.dimension_semantics<arbitrary>], iteration_bounds = array<i64: 8>, scalar_prefetch = 0 : i64, scratch_operands = 0 : i64, tpu.core_type = #tpu.core_type<tc>, window_params = [{transform_indices = @transform_0, window_bounds = array<i64: 1024, 64>}, {pipeline_mode = #tpu.pipeline_mode<synchronous>, transform_indices = @transform_1, window_bounds = array<i64: 32, 64>}, {pipeline_mode = #tpu.pipeline_mode<synchronous>, transform_indices = @transform_2, window_bounds = array<i64: 1, 32>}, {pipeline_mode = #tpu.pipeline_mode<synchronous>, transform_indices = @transform_3, window_bounds = array<i64: 32, 1>}, {pipeline_mode = #tpu.pipeline_mode<synchronous>, transform_indices = @transform_4, window_bounds = array<i64: 1024, 32>}, {transform_indices = @transform_5, window_bounds = array<i64: 1024, 128>}]} {
    %get3A = arith.constant 0 : index
    %get3A_0 = arith.constant 0 : index
    %get3A_1 = vector.load %arg2[%get3A, %get3A_0] : memref<32x64xf32, #tpu.memory_space<vmem>>, vector<32x64xf32>
    %abs3A = math.absf %get3A_1 : vector<32x64xf32>
    %reduce_sum3A = arith.constant dense<0.000000e+00> : vector<32xf32>
    %reduce_sum3A_2 = vector.multi_reduction <add>, %abs3A, %reduce_sum3A [1] : vector<32x64xf32> to vector<32xf32>
    %broadcast_in_dim3A = vector.shape_cast %reduce_sum3A_2 : vector<32xf32> to vector<32x1xf32>
    %get3A_3 = arith.constant 0 : index
    %get3A_4 = arith.constant 0 : index
    %get3A_5 = vector.load %arg4[%get3A_3, %get3A_4] : memref<32x1xf32, #tpu.memory_space<vmem>>, vector<32x1xf32>
    %custom_jvp_call3A = arith.constant 0.000000e+00 : f32
    %max3A = vector.broadcast %custom_jvp_call3A : f32 to vector<32x1xf32>
    %max3A_6 = arith.maximumf %get3A_5, %max3A : vector<32x1xf32>
    %sub3A = vector.broadcast %custom_jvp_call3A : f32 to vector<32x1xf32>
    %sub3A_7 = arith.subf %get3A_5, %sub3A : vector<32x1xf32>
    %ne3A = arith.cmpf one, %sub3A_7, %sub3A_7 : vector<32x1xf32>
    %add3A = vector.broadcast %custom_jvp_call3A : f32 to vector<32x1xf32>
    %add3A_8 = arith.addf %get3A_5, %add3A : vector<32x1xf32>
    %abs3A_9 = math.absf %sub3A_7 : vector<32x1xf32>
    %neg3A = arith.constant 0.000000e+00 : f32
    %neg3A_10 = vector.broadcast %neg3A : f32 to vector<32x1xf32>
    %neg3A_11 = arith.subf %neg3A_10, %abs3A_9 : vector<32x1xf32>
    %exp3A = math.exp %neg3A_11 : vector<32x1xf32>
    %log1p3A = math.log1p %exp3A : vector<32x1xf32>
    %add3A_12 = arith.addf %max3A_6, %log1p3A : vector<32x1xf32>
    %select_n3A = arith.select %ne3A, %add3A_8, %add3A_12 : vector<32x1xi1>, vector<32x1xf32>
    %div3A = arith.divf %select_n3A, %broadcast_in_dim3A : vector<32x1xf32>
    %min3A = arith.constant 1.000000e+00 : f32
    %min3A_13 = vector.broadcast %min3A : f32 to vector<32x1xf32>
    %min3A_14 = arith.minimumf %min3A_13, %div3A : vector<32x1xf32>
    %get3A_15 = arith.constant 0 : index
    %get3A_16 = arith.constant 0 : index
    %get3A_17 = vector.load %arg1[%get3A_15, %get3A_16] : memref<1024x64xf32, #tpu.memory_space<vmem>>, vector<1024x64xf32>
    %mul3A = vector.broadcast %min3A_14 : vector<32x1xf32> to vector<32x64xf32>
    %mul3A_18 = arith.mulf %get3A_1, %mul3A : vector<32x64xf32>
    %convert_element_type3A = arith.truncf %get3A_17 : vector<1024x64xf32> to vector<1024x64xbf16>
    %convert_element_type3A_19 = arith.truncf %mul3A_18 : vector<32x64xf32> to vector<32x64xbf16>
    %dot_general3A = arith.constant dense<0.000000e+00> : vector<1024x32xf32>
    %dot_general3A_20 = tpu.matmul %convert_element_type3A, %convert_element_type3A_19, %dot_general3A {dimension_numbers = #tpu.dot_dimension_numbers<[1], [1], [0], [0], [0, 0, 1, 0], [], []>, transpose_lhs_hint = false} : vector<1024x64xbf16>, vector<32x64xbf16>, vector<1024x32xf32> -> vector<1024x32xf32>
    %get3A_21 = arith.constant 0 : index
    %get3A_22 = arith.constant 0 : index
    %get3A_23 = vector.load %arg3[%get3A_21, %get3A_22] : memref<1x32xf32, #tpu.memory_space<vmem>>, vector<1x32xf32>
    %add3A_24 = vector.broadcast %get3A_23 : vector<1x32xf32> to vector<1024x32xf32>
    %add3A_25 = arith.addf %dot_general3A_20, %add3A_24 : vector<1024x32xf32>
    %logistic3A = arith.negf %add3A_25 : vector<1024x32xf32>
    %logistic3A_26 = math.exp %logistic3A : vector<1024x32xf32>
    %logistic3A_27 = arith.constant 1.000000e+00 : f32
    %logistic3A_28 = vector.broadcast %logistic3A_27 : f32 to vector<1024x32xf32>
    %logistic3A_29 = arith.addf %logistic3A_28, %logistic3A_26 : vector<1024x32xf32>
    %logistic3A_30 = arith.divf %logistic3A_28, %logistic3A_29 : vector<1024x32xf32>
    %mul3A_31 = arith.mulf %logistic3A_30, %logistic3A_30 : vector<1024x32xf32>
    %reduce_sum3A_32 = arith.constant dense<0.000000e+00> : vector<1024xf32>
    %reduce_sum3A_33 = vector.multi_reduction <add>, %mul3A_31, %reduce_sum3A_32 [1] : vector<1024x32xf32> to vector<1024xf32>
    %broadcast_in_dim3A_34 = vector.shape_cast %reduce_sum3A_33 : vector<1024xf32> to vector<1024x1xf32>
    %get3A_35 = arith.constant 0 : index
    %get3A_36 = arith.constant 0 : index
    %get3A_37 = vector.load %arg5[%get3A_35, %get3A_36] : memref<1024x32xf32, #tpu.memory_space<vmem>>, vector<1024x32xf32>
    %mul3A_38 = arith.mulf %get3A_37, %get3A_37 : vector<1024x32xf32>
    %reduce_sum3A_39 = arith.constant dense<0.000000e+00> : vector<1024xf32>
    %reduce_sum3A_40 = vector.multi_reduction <add>, %mul3A_38, %reduce_sum3A_39 [1] : vector<1024x32xf32> to vector<1024xf32>
    %broadcast_in_dim3A_41 = vector.shape_cast %reduce_sum3A_40 : vector<1024xf32> to vector<1024x1xf32>
    %transpose3A = tpu.transpose %broadcast_in_dim3A_41, [1, 0] : vector<1024x1xf32> -> vector<1x1024xf32>
    %add3A_42 = vector.broadcast %broadcast_in_dim3A_34 : vector<1024x1xf32> to vector<1024x1024xf32>
    %add3A_43 = vector.broadcast %transpose3A : vector<1x1024xf32> to vector<1024x1024xf32>
    %add3A_44 = arith.addf %add3A_42, %add3A_43 : vector<1024x1024xf32>
    %convert_element_type3A_45 = arith.truncf %logistic3A_30 : vector<1024x32xf32> to vector<1024x32xbf16>
    %convert_element_type3A_46 = arith.truncf %get3A_37 : vector<1024x32xf32> to vector<1024x32xbf16>
    %dot_general3A_47 = arith.constant dense<0.000000e+00> : vector<1024x1024xf32>
    %dot_general3A_48 = tpu.matmul %convert_element_type3A_45, %convert_element_type3A_46, %dot_general3A_47 {dimension_numbers = #tpu.dot_dimension_numbers<[1], [1], [0], [0], [0, 0, 1, 0], [], []>, transpose_lhs_hint = false} : vector<1024x32xbf16>, vector<1024x32xbf16>, vector<1024x1024xf32> -> vector<1024x1024xf32>
    %mul3A_49 = arith.constant 2.000000e+00 : f32
    %mul3A_50 = vector.broadcast %mul3A_49 : f32 to vector<1024x1024xf32>
    %mul3A_51 = arith.mulf %mul3A_50, %dot_general3A_48 : vector<1024x1024xf32>
    %sub3A_52 = arith.subf %add3A_44, %mul3A_51 : vector<1024x1024xf32>
    %reduce_min3A = arith.constant dense<0x7F800000> : vector<1024xf32>
    %reduce_min3A_53 = vector.multi_reduction <minimumf>, %sub3A_52, %reduce_min3A [1] : vector<1024x1024xf32> to vector<1024xf32>
    %broadcast_in_dim3A_54 = vector.shape_cast %reduce_min3A_53 : vector<1024xf32> to vector<1024x1xf32>
    %iota3A = tpu.iota {dimensions = array<i32: 1>} : vector<1024x1024xi32>
    %eq3A = vector.broadcast %broadcast_in_dim3A_54 : vector<1024x1xf32> to vector<1024x1024xf32>
    %eq3A_55 = arith.cmpf oeq, %sub3A_52, %eq3A : vector<1024x1024xf32>
    %jit3A = arith.constant 1073741824 : i32
    %broadcast_in_dim3A_56 = vector.broadcast %jit3A : i32 to vector<1024x1024xi32>
    %select_n3A_57 = arith.select %eq3A_55, %iota3A, %broadcast_in_dim3A_56 : vector<1024x1024xi1>, vector<1024x1024xi32>
    %reduce_min3A_58 = arith.constant dense<2147483647> : vector<1024xi32>
    %reduce_min3A_59 = vector.multi_reduction <minsi>, %select_n3A_57, %reduce_min3A_58 [1] : vector<1024x1024xi32> to vector<1024xi32>
    %broadcast_in_dim3A_60 = vector.shape_cast %reduce_min3A_59 : vector<1024xi32> to vector<1024x1xi32>
    %eq3A_61 = vector.broadcast %broadcast_in_dim3A_60 : vector<1024x1xi32> to vector<1024x1024xi32>
    %eq3A_62 = arith.cmpi eq, %iota3A, %eq3A_61 : vector<1024x1024xi32>
    %convert_element_type3A_63 = arith.extui %eq3A_62 : vector<1024x1024xi1> to vector<1024x1024xi32>
    %convert_element_type3A_64 = arith.sitofp %convert_element_type3A_63 : vector<1024x1024xi32> to vector<1024x1024xf32>
    %dot_general3A_65 = arith.constant dense<0.000000e+00> : vector<1024x32xf32>
    %dot_general3A_66 = tpu.matmul %convert_element_type3A_64, %get3A_37, %dot_general3A_65 {dimension_numbers = #tpu.dot_dimension_numbers<[1], [0], [0], [1], [0, 0, 1, 1], [], []>, precision = #tpu.contract_precision<fp32>, transpose_lhs_hint = false} : vector<1024x1024xf32>, vector<1024x32xf32>, vector<1024x32xf32> -> vector<1024x32xf32>
    %bitcast_convert_type3A = tpu.bitcast %broadcast_in_dim3A_60 : vector<1024x1xi32> -> vector<1024x1xf32>
    %get3A_67 = arith.constant 0 : index
    %get3A_68 = arith.constant 0 : index
    %get3A_69 = vector.load %arg1[%get3A_67, %get3A_68] : memref<1024x64xf32, #tpu.memory_space<vmem>>, vector<1024x64xf32>
    %broadcast_in_dim3A_70 = vector.shape_cast %bitcast_convert_type3A : vector<1024x1xf32> to vector<1024x1xf32>
    %broadcast_in_dim3A_71 = vector.broadcast %broadcast_in_dim3A_70 : vector<1024x1xf32> to vector<1024x8xf32>
    %broadcast_in_dim3A_72 = arith.constant 0.000000e+00 : f32
    %broadcast_in_dim3A_73 = vector.broadcast %broadcast_in_dim3A_72 : f32 to vector<1024x24xf32>
    %concatenate3A = tpu.concatenate %get3A_69, %dot_general3A_66, %broadcast_in_dim3A_71, %broadcast_in_dim3A_73 in 1 : vector<1024x64xf32>, vector<1024x32xf32>, vector<1024x8xf32>, vector<1024x24xf32> -> vector<1024x128xf32>
    %swap3A = arith.constant 0 : index
    %swap3A_74 = arith.constant 0 : index
    %swap3A_75 = vector.load %arg6[%swap3A, %swap3A_74] : memref<1024x128xf32, #tpu.memory_space<vmem>>, vector<1024x128xf32>
    tpu.vector_store %arg6[%swap3A, %swap3A_74], %concatenate3A {strides = array<i32>} : memref<1024x128xf32, #tpu.memory_space<vmem>>, vector<1024x128xf32>,
    return
  }
  func.func @transform_0(%arg0: i32) -> (i32, i32) {
    %c0_i32 = arith.constant 0 : i32
    %c0_i32_0 = arith.constant 0 : i32
    return %arg0, %c0_i32 : i32, i32
  }
  func.func @transform_1(%arg0: i32) -> (i32, i32) {
    %c0_i32 = arith.constant 0 : i32
    %c0_i32_0 = arith.constant 0 : i32
    %c0_i32_1 = arith.constant 0 : i32
    return %c0_i32, %c0_i32_0 : i32, i32
  }
  func.func @transform_2(%arg0: i32) -> (i32, i32) {
    %c0_i32 = arith.constant 0 : i32
    %c0_i32_0 = arith.constant 0 : i32
    %c0_i32_1 = arith.constant 0 : i32
    return %c0_i32, %c0_i32_0 : i32, i32
  }
  func.func @transform_3(%arg0: i32) -> (i32, i32) {
    %c0_i32 = arith.constant 0 : i32
    %c0_i32_0 = arith.constant 0 : i32
    %c0_i32_1 = arith.constant 0 : i32
    return %c0_i32, %c0_i32_0 : i32, i32
  }
  func.func @transform_4(%arg0: i32) -> (i32, i32) {
    %c0_i32 = arith.constant 0 : i32
    %c0_i32_0 = arith.constant 0 : i32
    %c0_i32_1 = arith.constant 0 : i32
    return %c0_i32, %c0_i32_0 : i32, i32
  }
  func.func @transform_5(%arg0: i32) -> (i32, i32) {
    %c0_i32 = arith.constant 0 : i32
    %c0_i32_0 = arith.constant 0 : i32
    return %arg0, %c0_i32 : i32, i32
  }
}

</mosaic_0001>

<sc_bundles>
// kernel: kernel.5.cloned.1.call-start
scs
__scs_entry_jumppad:
0x0: {  	(pc) =	sbr.rel $0x88, $3  }
0x1: {  	(tag) =	ssettag $0x0;
	lr =	simm.s32 $0x1  }
0x2: {  	[smem:$0x3F94] =	sst lr;
	_ =	strace $0xD0000000  }
0x3: {  	_ = 	snop  }
0x4: {  	_ = 	snop  }
0x5: {  	_ = 	snop  }
0x6: {  	_ = 	snop  }
0x7: {  	_ = 	snop  }
__scs_overlays_trampoline_lowered:
0x8: {  	[smem:$0x3FA3] =	sst s0  }
0x9: {  	[smem:$0x3FA4] =	sst s1  }
0xa: {  	[smem:$0x3FA5] =	sst s2  }
0xb: {  	[smem:$0x3FA6] =	sst s3  }
0xc: {  	[smem:$0x3FA7] =	sst s4  }
0xd: {  	[smem:$0x3FA8] =	sst s5  }
0xe: {  	[smem:$0x3FA9] =	sst s6  }
0xf: {  	[smem:$0x3FAA] =	sst s7  }
0x10: {  	[smem:$0x3FAB] =	sst s8  }
0x11: {  	[smem:$0x3FAC] =	sst s9;
	s0 =	simm.s32 @!p0 $0x0  }
0x12: {  	s1 =	sld [smem:$0x3F92];
	s0 =	simm.s32 @p0 $0x1  }
0x13: {  	[smem:$0x3FAD] =	sst s0;
	s0 =	simm.s32 @!p1 $0x0  }
0x14: {  	s2 =	sld [smem:$0x3F91];
	s0 =	simm.s32 @p1 $0x1  }
0x15: {  	[smem:$0x3FAE] =	sst s0;
	s0 =	simm.s32 @!p2 $0x0  }
0x16: {  	s3 =	sld [smem:$0x3FDB];
	s0 =	simm.s32 @p2 $0x1  }
0x17: {  	s4 =	simm.s32 $0x1BF5;
	[smem:$0x3FB0] =	sst s0  }
0x18: {  	s0 =	sld [smem:$0x3F93];
	_ =	swait.ge [sflag:s4], $0x0  }
0x19: {  	s7 =	sld [smem:$0x3F94]  }
0x1a: {  	s8 =	sadd.s32 $0xFFFFE003, lr  }
0x1b: {  	s9 =	sadd.s32 $0xFFFFFEF7, lr;
	s5 =	simm.s32 $0xFFFFFFFF;
	p2 =	slt.u32 s8, $0xFFFFF086  }
0x1c: {  	p1 =	slt.u32 s9, $0xF7A;
	s5 =	simm.s32 @!p2 $0x0  }
0x1d: {  	s5 =	simm.s32 @p1 $0x1;
	p0 =	seq.s32 s7, s2  }
0x1e: {  	s7 =	smul.u32 @!p0 $0xF7A, s2;
	p2 =	seq.s32 @!p0 s5, $0x0  }
0x1f: {  	s9 =	smul.u32 $0xF7A, s1;
	s8 =	simm.s32 @!p0 $0x1BF5;
	p2 =	por !p2, p0  }
0x20: {  	[sflag:s8] =	ssyncset.s32 @!p0 $0xFFFFF086;
	s6 =	sadd.s32 @!p0 s3, s7;
	s7 =	simm.s32 @!p0 $0x108  }
0x21: {  	s3 =	sadd.s32 s3, s9;
	s6 =	sadd.s32 @!p0 $0x88, s6;
	s7 =	simm.s32 @p2 $0x1082  }
0x22: {  	[simem:s7], [sflag:s8] =	dma.local @!p0 [hbm:s6], $0xF7A  }
0x23: {  	s9 =	sor.u32 $0xD0000000, s2;
	s6 =	simm.s32 $0x108;
	_ =	swait.ge @!p0 [sflag:s8], $0x0  }
0x24: {  	s3 =	sadd.s32 $0x88, s3;
	s6 =	simm.s32 @!p1 $0x1082;
	[sflag:s4] =	ssyncset.s32 $0xFFFFF086  }
0x25: {  	[simem:s6], [sflag:s4] =	dma.local [hbm:s3], $0xF7A  }
0x26: {  	[smem:$0x3F94] =	sst s1;
	(tag) =	ssettag s2;
	_ =	strace s9  }
0x27: {  	s1 =	sld [smem:$0x3FA4]  }
0x28: {  	s2 =	sld [smem:$0x3FA5]  }
0x29: {  	s4 =	sld [smem:$0x3FA7]  }
0x2a: {  	p0 =	seq.s32 s5, $0x0;
	s5 =	sld [smem:$0x3FA8]  }
0x2b: {  	s6 =	sld [smem:$0x3FA9]  }
0x2c: {  	s7 =	sld [smem:$0x3FAA]  }
0x2d: {  	s3 =	simm.s32 $0x108;
	s8 =	sld [smem:$0x3FAB]  }
0x2e: {  	s3 =	simm.s32 @!p0 $0x1082;
	s9 =	sld [smem:$0x3FAC]  }
0x2f: {  	lr =	sadd.s32 s0, s3;
	s0 =	sld [smem:$0x3FA3]  }
0x30: {  	s3 =	sld [smem:$0x3FA6]  }
0x31: {  	[smem:$0x3FAF] =	sst s10  }
0x32: {  	s10 =	sld [smem:$0x3FAD];
	_ =	sdelay $0x3  }
0x33: {  	p0 =	seq.s32 s10, $0x1;
	s10 =	sld [smem:$0x3FAF];
	_ =	sdelay $0x3  }
0x34: {  	[smem:$0x3FAF] =	sst s10  }
0x35: {  	s10 =	sld [smem:$0x3FAE];
	_ =	sdelay $0x3  }
0x36: {  	p1 =	seq.s32 s10, $0x1;
	s10 =	sld [smem:$0x3FAF];
	_ =	sdelay $0x3  }
0x37: {  	[smem:$0x3FAF] =	sst s10  }
0x38: {  	s10 =	sld [smem:$0x3FB0]  }
0x39: {  	_ = 	snop;
	(pc) =	sbr.ind lr, $3  }
0x3a: {  	_ = 	snop  }
0x3b: {  	_ = 	snop  }
0x3c: {  	p2 =	seq.s32 s10, $0x1;
	s10 =	sld [smem:$0x3FAF]  }
0x3d: {  	_ =	shalt  }
0x3e: {  	_ =	shalt  }
0x3f: {  	_ =	shalt  }
0x40: {  	_ =	shalt  }
0x41: {  	_ =	shalt  }
0x42: {  	_ =	shalt  }
0x43: {  	_ =	shalt  }
0x44: {  	_ =	shalt  }
0x45: {  	_ =	shalt  }
0x46: {  	_ =	shalt  }
0x47: {  	_ =	shalt  }
0x48: {  	_ =	shalt  }
0x49: {  	_ =	shalt  }
0x4a: {  	_ =	shalt  }
0x4b: {  	_ =	shalt  }
0x4c: {  	_ =	shalt  }
0x4d: {  	_ =	shalt  }
0x4e: {  	_ =	shalt  }
0x4f: {  	_ =	shalt  }
0x50: {  	_ =	shalt  }
0x51: {  	_ =	shalt  }
0x52: {  	_ =	shalt  }
0x53: {  	_ =	shalt  }
0x54: {  	_ =	shalt  }
0x55: {  	_ =	shalt  }
0x56: {  	_ =	shalt  }
0x57: {  	_ =	shalt  }
0x58: {  	_ =	shalt  }
0x59: {  	_ =	shalt  }
0x5a: {  	_ =	shalt  }
0x5b: {  	_ =	shalt  }
0x5c: {  	_ =	shalt  }
0x5d: {  	_ =	shalt  }
0x5e: {  	_ =	shalt  }
0x5f: {  	_ =	shalt  }
0x60: {  	_ =	shalt  }
0x61: {  	_ =	shalt  }
0x62: {  	_ =	shalt  }
0x63: {  	_ =	shalt  }
0x64: {  	_ =	shalt  }
0x65: {  	_ =	shalt  }
0x66: {  	_ =	shalt  }
0x67: {  	_ =	shalt  }
0x68: {  	_ =	shalt  }
0x69: {  	_ =	shalt  }
0x6a: {  	_ =	shalt  }
0x6b: {  	_ =	shalt  }
0x6c: {  	_ =	shalt  }
0x6d: {  	_ =	shalt  }
0x6e: {  	_ =	shalt  }
0x6f: {  	_ =	shalt  }
0x70: {  	_ =	shalt  }
0x71: {  	_ =	shalt  }
0x72: {  	_ =	shalt  }
0x73: {  	_ =	shalt  }
0x74: {  	_ =	shalt  }
0x75: {  	_ =	shalt  }
0x76: {  	_ =	shalt  }
0x77: {  	_ =	shalt  }
0x78: {  	_ =	shalt  }
0x79: {  	_ =	shalt  }
0x7a: {  	_ =	shalt  }
0x7b: {  	_ =	shalt  }
0x7c: {  	_ =	shalt  }
0x7d: {  	_ =	shalt  }
0x7e: {  	_ =	shalt  }
0x7f: {  	_ =	shalt  }
0x80: {  	_ =	shalt  }
0x81: {  	_ =	shalt  }
0x82: {  	_ =	shalt  }
0x83: {  	_ =	shalt  }
0x84: {  	_ =	shalt  }
0x85: {  	_ =	shalt  }
0x86: {  	_ =	shalt  }
0x87: {  	_ =	shalt  }
.Lfunc_end0:
.L_simem_size_0:
called_computation_lowered:
.L_overlay_start_0:
0x88: {  	s2 =	sld [smem:$0x3FD9]  }
0x89: {  	s3 =	sld [smem:$0x3FFE];
	_ =	sdelay $0x1  }
0x8a: {  	s1 =	srdreg.scid  }
0x8b: {  	s0 =	sand.u32 $0x1, s1  }
0x8c: {  	s14 =	sshll.u32 s0, $0xA;
	s2 =	sadd.s32 s3, s2  }
0x8d: {  	s2 =	sadd.s32 s2, s14  }
0x8e: {  	[smem:$0x3FBB] =	sst s2  }
0x8f: {  	_ = 	snop  }
0x90: {  	s2 =	sld [smem:$0x3FD0];
	_ =	sdelay $0x2  }
0x91: {  	s15 =	simm.s32 $0xA;
	s4 =	simm.s32 $0x10  }
0x92: {  	[smem:s4], [sflag:s15] =	dma.local [hbm:s2], $0x1  }
0x93: {  	_ =	swait.eq [sflag:s15], $0x1  }
0x94: {  	[sflag:s15] =	ssyncset.done $0x0  }
0x95: {  	s16 =	sld [smem:$0x10];
	[sflag:s15] =	ssyncadd.s32 $0xFFFFFFFF  }
0x96: {  	s17 =	sld [smem:$0x12];
	(tm) =	ssettm $0x1  }
0x97: {  	s18 =	sld [smem:$0x3FFB];
	_ =	sdelay $0x3  }
0x98: {  	_ =	strace s18  }
0x99: {  	s4 =	sld [smem:$0x3FFC];
	_ =	sdelay $0x3  }
0x9a: {  	_ =	strace s4  }
0x9b: {  	s4 =	sld [smem:$0x3FFD];
	_ =	sdelay $0x3  }
0x9c: {  	_ =	strace s4  }
0x9d: {  	_ =	strace $0x8FFFFFFF  }
0x9e: {  	s19 =	sld [smem:$0x3FDB];
	_ =	sdelay $0x1  }
0x9f: {  	s5 =	simm.s32 $_scs_section_size  }
0xa0: {  	s6 =	simm.s32 $_size__tile_overlayer_lowered;
	s7 =	simm.s32 $_tile_overlayer_lowered  }
0xa1: {  	s22 =	simm.s32 $0x1BFF;
	s21 =	sshll.u32 s7, $0x1;
	s4 =	sadd.s32 s5, s19  }
0xa2: {  	s8 =	simm.s32 $0x0;
	s20 =	sshll.u32 s6, $0x1;
	s6 =	sadd.s32 s21, s4  }
0xa3: {  	[timem:s8], [sflag:s22] =	dma.local [hbm:s6], s20  }
0xa4: {  	_ =	swait.ge [sflag:s22], s20  }
0xa5: {  	s5 =	ssub.s32 $0x0, s20;
	[sflag:s22] =	ssyncset.done $0x0  }
0xa6: {  	[sflag:s22] =	ssyncadd.s32 s5;
	_ =	sdelay $0x1  }
0xa7: {  	s23 =	simm.s32 $0x1B8B  }
0xa8: {  	_ =	swait.ge [sflag:s23], $0x1  }
0xa9: {  	[sflag:s23] =	ssyncset.done $0x0  }
0xaa: {  	s25 =	simm.s32 $0x1B8E;
	s24 =	sld [smem:$0x3FFE];
	[sflag:s23] =	ssyncadd.s32 $0xFFFFFFFF  }
0xab: {  	s26 =	simm.s32 $execute0_lowered;
	[smem:$0x3FD2] =	sst s25  }
0xac: {  	s6 =	sshll.u32 s26, $0x1;
	_ =	strace $0x80000046;
	[dreg:$0x1] =	wrdreg $0xFFFFFFFF  }
0xad: {  	s28 =	simm.s32 $_size_execute0_lowered;
	s4 =	sadd.s32 s4, s6;
	[dreg:$0x0] =	wrdreg $0x0  }
0xae: {  	s6 =	sshll.u32 s28, $0x1;
	[dreg:$0x2] =	wrdreg s4  }
0xaf: {  	[dreg:$0x3] =	wrdreg s6  }
0xb0: {  	[dreg:$0x4] =	wrdreg $0xC0  }
0xb1: {  	_ =	task [dreg:s8], $0x5FFFF  }
0xb2: {  	[dreg:$0x1] =	wrdreg $0xFFFFFFFF  }
0xb3: {  	[dreg:$0x0] =	wrdreg $0x60  }
0xb4: {  	[dreg:$0x2] =	wrdreg s16  }
0xb5: {  	[dreg:$0x3] =	wrdreg s17  }
0xb6: {  	[dreg:$0x4] =	wrdreg s24  }
0xb7: {  	[dreg:$0x5] =	wrdreg $0x9  }
0xb8: {  	_ =	task.clear_ibuf [dreg:s8], $0x6FFFF;
	_ =	strace $0x90000046  }
0xb9: {  	s29 =	simm.s32 $0x9;
	_ =	strace $0x8000004B  }
0xba: {  	_ =	swait.ge [sflag:s29], $0x1  }
0xbb: {  	[sflag:s29] =	ssyncadd.s32 $0xFFFFFFFF  }
0xbc: {  	_ =	strace $0x9000004B  }
0xbd: {  	_ =	sfence  }
0xbe: {  	s30 =	sld [smem:$0x0];
	_ =	sdelay $0x2  }
0xbf: {  	s31 =	sshll.u32 s1, $0xD;
	s1 =	sshrl.u32 s1, $0x2  }
0xc0: {  	s3 =	sand.u32 $0x4000, s31;
	s1 =	sadd.s32 s1, s30  }
0xc1: {  	s0 =	sor.u32 s3, s0;
	s1 =	sshll.u32 s1, $0x11  }
0xc2: {  	s0 =	sor.u32 s1, s0  }
0xc3: {  	s0 =	sadd.s32 $0x8F2B, s0  }
0xc4: {  	[sflag:s0] =	ssyncadd.remote.s32 $0x1  }
0xc5: {  	_ =	sfence.sel $0xFFFF  }
0xc6: {  	[dreg:$0x0] =	wrdreg $0xFFFFFFFF;
	(pc) =	sbr.abs _section_cstart, $3  }
0xc7: {  	[dreg:$0x1] =	wrdreg $0xFFFFFFFF  }
0xc8: {  	_ =	task.clear_ibuf [dreg:s8], $0x2FFFF;
	_ =	strace $0x9FFFFFFF  }
0xc9: {  	(tm) =	ssettm $0x7FFFFFFF  }
tec
execute0_lowered:
.L_overlay_start_1:
0x0: {  	(tag) =	ssettag $0x1  }
0x1: {  	s1 =	srdreg.scid;
	s0 =	stileid.u32  }
0x2: {  	s2 =	rddreg [dreg:$0x0];
	s30 =	sand.u32 $0x1, s1;
	s5 =	sshll.u32 s0, $0x1  }
0x3: {  	s4 =	rddreg [dreg:$0x1];
	s23 =	sor.u32 s30, s5  }
0x4: {  	s22 =	rddreg [dreg:$0x2];
	s3 =	simm.s32 $0x0;
	s5 =	sshll.u32 s23, $0x7  }
0x5: {  	[smem:$0x7FF] =	sst s3;
	s4 =	sadd.s32 s4, s5  }
0x6: {  	_ =	strace $0x80000047;
	[dreg:$0x4] =	wrdreg s4  }
0x7: {  	_ =	strace $0x80000048  }
0x8: {  	s4 =	simm.s32 $0x2;
	s26 =	rddreg [dreg:$0x4]  }
0x9: {  	[tilespmem:s3], [sflag:$0x2] =	stream.linear.gather [hbm4b:s26+s3], $0x400, $0x200038;
	[tilespmem:$0x10400] =	vst v63  }
0xa: {  	_ =	swait.ge [sflag:s4], $0x400  }
0xb: {  	[sflag:s4] =	ssyncset.done $0x0  }
0xc: {  	[sflag:s4] =	ssyncadd.s32 $0xFFFFFC00  }
0xd: {  	_ =	strace $0x90000048  }
0xe: {  	s6 =	simm.s32 $0x400;
	s5 =	simm.s32 $0x40;
	_ =	strace $0x80000049  }
0xf: {  	[tilespmem:s6], [sflag:$0x1] =	stream.indirect.gather [hbm4b:s2+s5], $0x80, s3, s5, $0x2000b8;
	[tilespmem:$0x10400] =	vst v63  }
0x10: {  	s7 =	simm.s32 $0x80;
	s8 =	simm.s32 $0x2400  }
0x11: {  	[tilespmem:s8], [sflag:$0x1] =	stream.indirect.gather [hbm4b:s2+s5], $0x80, s7, s5, $0x2000b8;
	[tilespmem:$0x10400] =	vst v63  }
0x12: {  	s9 =	simm.s32 $0x100;
	s10 =	simm.s32 $0x4400  }
0x13: {  	[tilespmem:s10], [sflag:$0x1] =	stream.indirect.gather [hbm4b:s2+s5], $0x80, s9, s5, $0x2000b8;
	[tilespmem:$0x10400] =	vst v63  }
0x14: {  	s11 =	simm.s32 $0x180;
	s12 =	simm.s32 $0x6400  }
0x15: {  	[tilespmem:s12], [sflag:$0x1] =	stream.indirect.gather [hbm4b:s2+s5], $0x80, s11, s5, $0x2000b8;
	[tilespmem:$0x10400] =	vst v63  }
0x16: {  	s13 =	simm.s32 $0x200;
	s14 =	simm.s32 $0x8400  }
0x17: {  	[tilespmem:s14], [sflag:$0x1] =	stream.indirect.gather [hbm4b:s2+s5], $0x80, s13, s5, $0x2000b8;
	[tilespmem:$0x10400] =	vst v63  }
0x18: {  	s15 =	simm.s32 $0x280;
	s16 =	simm.s32 $0xA400  }
0x19: {  	[tilespmem:s16], [sflag:$0x1] =	stream.indirect.gather [hbm4b:s2+s5], $0x80, s15, s5, $0x2000b8;
	[tilespmem:$0x10400] =	vst v63  }
0x1a: {  	s17 =	simm.s32 $0x300;
	s18 =	simm.s32 $0xC400  }
0x1b: {  	[tilespmem:s18], [sflag:$0x1] =	stream.indirect.gather [hbm4b:s2+s5], $0x80, s17, s5, $0x2000b8;
	[tilespmem:$0x10400] =	vst v63  }
0x1c: {  	s19 =	simm.s32 $0x380;
	s20 =	simm.s32 $0xE400;
	s21 =	simm.s32 $0x1  }
0x1d: {  	[tilespmem:s20], [sflag:$0x1] =	stream.indirect.gather [hbm4b:s2+s5], $0x80, s19, s5, $0x2000b8;
	[tilespmem:$0x10400] =	vst v63  }
0x1e: {  	_ =	swait.ge [sflag:s21], $0x2000  }
0x1f: {  	[sflag:s21] =	ssyncset.done $0x0  }
0x20: {  	[sflag:s21] =	ssyncadd.s32 $0xFFFFE000  }
0x21: {  	_ =	swait.ge [sflag:s21], $0x2000  }
0x22: {  	[sflag:s21] =	ssyncset.done $0x0  }
0x23: {  	[sflag:s21] =	ssyncadd.s32 $0xFFFFE000  }
0x24: {  	_ =	swait.ge [sflag:s21], $0x2000  }
0x25: {  	[sflag:s21] =	ssyncset.done $0x0  }
0x26: {  	[sflag:s21] =	ssyncadd.s32 $0xFFFFE000  }
0x27: {  	_ =	swait.ge [sflag:s21], $0x2000  }
0x28: {  	[sflag:s21] =	ssyncset.done $0x0  }
0x29: {  	[sflag:s21] =	ssyncadd.s32 $0xFFFFE000  }
0x2a: {  	_ =	swait.ge [sflag:s21], $0x2000  }
0x2b: {  	[sflag:s21] =	ssyncset.done $0x0  }
0x2c: {  	[sflag:s21] =	ssyncadd.s32 $0xFFFFE000  }
0x2d: {  	_ =	swait.ge [sflag:s21], $0x2000  }
0x2e: {  	[sflag:s21] =	ssyncset.done $0x0  }
0x2f: {  	[sflag:s21] =	ssyncadd.s32 $0xFFFFE000  }
0x30: {  	_ =	swait.ge [sflag:s21], $0x2000  }
0x31: {  	[sflag:s21] =	ssyncset.done $0x0  }
0x32: {  	[sflag:s21] =	ssyncadd.s32 $0xFFFFE000  }
0x33: {  	_ =	swait.ge [sflag:s21], $0x2000  }
0x34: {  	[sflag:s21] =	ssyncset.done $0x0  }
0x35: {  	s23 =	sshll.u32 s23, $0xD;
	[sflag:s21] =	ssyncadd.s32 $0xFFFFE000  }
0x36: {  	s31 =	sadd.s32 s23, s22;
	_ =	strace $0x90000049  }
0x37: {  	s22 =	sadd.s32 $0x1200, s31;
	_ =	strace $0x8000004A  }
0x38: {  	[hbm4b:s22+s3] =	stream.linear.scatter [tilespmem:s6], [sflag:$0x2], $0x2000, $0x200038;
	[tilespmem:$0x10400] =	vst v63  }
0x39: {  	_ =	swait.ge [sflag:s4], $0x2000  }
0x3a: {  	[sflag:s4] =	ssyncset.done $0x0  }
0x3b: {  	s23 =	sadd.s32 $0x1600, s31;
	[sflag:s4] =	ssyncadd.s32 $0xFFFFE000  }
0x3c: {  	[hbm4b:s23+s3] =	stream.linear.scatter [tilespmem:s8], [sflag:$0x2], $0x2000, $0x200038;
	[tilespmem:$0x10400] =	vst v63  }
0x3d: {  	_ =	swait.ge [sflag:s4], $0x2000  }
0x3e: {  	[sflag:s4] =	ssyncset.done $0x0  }
0x3f: {  	s24 =	sadd.s32 $0x1A00, s31;
	[sflag:s4] =	ssyncadd.s32 $0xFFFFE000  }
0x40: {  	[hbm4b:s24+s3] =	stream.linear.scatter [tilespmem:s10], [sflag:$0x2], $0x2000, $0x200038;
	[tilespmem:$0x10400] =	vst v63  }
0x41: {  	_ =	swait.ge [sflag:s4], $0x2000  }
0x42: {  	[sflag:s4] =	ssyncset.done $0x0  }
0x43: {  	s25 =	sadd.s32 $0x1E00, s31;
	[sflag:s4] =	ssyncadd.s32 $0xFFFFE000  }
0x44: {  	[hbm4b:s25+s3] =	stream.linear.scatter [tilespmem:s12], [sflag:$0x2], $0x2000, $0x200038;
	[tilespmem:$0x10400] =	vst v63  }
0x45: {  	_ =	swait.ge [sflag:s4], $0x2000  }
0x46: {  	[sflag:s4] =	ssyncset.done $0x0  }
0x47: {  	s26 =	sadd.s32 $0x2200, s31;
	[sflag:s4] =	ssyncadd.s32 $0xFFFFE000  }
0x48: {  	[hbm4b:s26+s3] =	stream.linear.scatter [tilespmem:s14], [sflag:$0x2], $0x2000, $0x200038;
	[tilespmem:$0x10400] =	vst v63  }
0x49: {  	_ =	swait.ge [sflag:s4], $0x2000  }
0x4a: {  	[sflag:s4] =	ssyncset.done $0x0  }
0x4b: {  	s28 =	sadd.s32 $0x2600, s31;
	[sflag:s4] =	ssyncadd.s32 $0xFFFFE000  }
0x4c: {  	[hbm4b:s28+s3] =	stream.linear.scatter [tilespmem:s16], [sflag:$0x2], $0x2000, $0x200038;
	[tilespmem:$0x10400] =	vst v63  }
0x4d: {  	s30 =	ssub.s32 $0x2, s30;
	_ =	swait.ge [sflag:s4], $0x2000  }
0x4e: {  	s1 =	sshrl.u32 s30, $0x1;
	[sflag:s4] =	ssyncset.done $0x0  }
0x4f: {  	s1 =	ssub.s32 s30, s1;
	s29 =	sadd.s32 $0x2A00, s31;
	[sflag:s4] =	ssyncadd.s32 $0xFFFFE000  }
0x50: {  	[hbm4b:s29+s3] =	stream.linear.scatter [tilespmem:s18], [sflag:$0x2], $0x2000, $0x200038;
	[tilespmem:$0x10400] =	vst v63  }
0x51: {  	s1 =	smax.u32 s1, $0x1;
	_ =	swait.ge [sflag:s4], $0x2000  }
0x52: {  	p0 =	sne.s32 s1, $0x1;
	[sflag:s4] =	ssyncset.done $0x0  }
.Ltmp0:
0x53: {  	s30 =	sadd.s32 $0x2E00, s31;
	[sflag:s4] =	ssyncadd.s32 $0xFFFFE000;
	(pc) =	sbr.rel @!p0 .LBB2_2-.Ltmp0, $4  }
0x54: {  	[hbm4b:s30+s3] =	stream.linear.scatter [tilespmem:s20], [sflag:$0x2], $0x2000, $0x200038;
	[tilespmem:$0x10400] =	vst v63  }
0x55: {  	_ =	swait.ge [sflag:s4], $0x2000  }
0x56: {  	[sflag:s4] =	ssyncset.done $0x0  }
0x57: {  	s31 =	sadd.s32 $0xFFFFFFFF, s1;
	[sflag:s4] =	ssyncadd.s32 $0xFFFFE000  }
.LBB2_1:
0x58: {  	_ =	strace $0x9000004A  }
0x59: {  	_ =	strace $0x80000048  }
0x5a: {  	s1 =	rddreg [dreg:$0x4]  }
0x5b: {  	[tilespmem:s3], [sflag:$0x2] =	stream.linear.gather [hbm4b:s1+s3], $0x400, $0x200038;
	[tilespmem:$0x10400] =	vst v63  }
0x5c: {  	_ =	swait.ge [sflag:s4], $0x400  }
0x5d: {  	[sflag:s4] =	ssyncset.done $0x0  }
0x5e: {  	[sflag:s4] =	ssyncadd.s32 $0xFFFFFC00  }
0x5f: {  	_ =	strace $0x90000048  }
0x60: {  	_ =	strace $0x80000049  }
0x61: {  	[tilespmem:s6], [sflag:$0x1] =	stream.indirect.gather [hbm4b:s2+s5], $0x80, s3, s5, $0x2000b8;
	[tilespmem:$0x10400] =	vst v63  }
0x62: {  	_ = 	snop  }
0x63: {  	[tilespmem:s8], [sflag:$0x1] =	stream.indirect.gather [hbm4b:s2+s5], $0x80, s7, s5, $0x2000b8;
	[tilespmem:$0x10400] =	vst v63  }
0x64: {  	_ = 	snop  }
0x65: {  	[tilespmem:s10], [sflag:$0x1] =	stream.indirect.gather [hbm4b:s2+s5], $0x80, s9, s5, $0x2000b8;
	[tilespmem:$0x10400] =	vst v63  }
0x66: {  	_ = 	snop  }
0x67: {  	[tilespmem:s12], [sflag:$0x1] =	stream.indirect.gather [hbm4b:s2+s5], $0x80, s11, s5, $0x2000b8;
	[tilespmem:$0x10400] =	vst v63  }
0x68: {  	_ = 	snop  }
0x69: {  	[tilespmem:s14], [sflag:$0x1] =	stream.indirect.gather [hbm4b:s2+s5], $0x80, s13, s5, $0x2000b8;
	[tilespmem:$0x10400] =	vst v63  }
0x6a: {  	_ = 	snop  }
0x6b: {  	[tilespmem:s16], [sflag:$0x1] =	stream.indirect.gather [hbm4b:s2+s5], $0x80, s15, s5, $0x2000b8;
	[tilespmem:$0x10400] =	vst v63  }
0x6c: {  	_ = 	snop  }
0x6d: {  	[tilespmem:s18], [sflag:$0x1] =	stream.indirect.gather [hbm4b:s2+s5], $0x80, s17, s5, $0x2000b8;
	[tilespmem:$0x10400] =	vst v63  }
0x6e: {  	_ = 	snop  }
0x6f: {  	[tilespmem:s20], [sflag:$0x1] =	stream.indirect.gather [hbm4b:s2+s5], $0x80, s19, s5, $0x2000b8;
	[tilespmem:$0x10400] =	vst v63  }
0x70: {  	_ =	swait.ge [sflag:s21], $0x2000  }
0x71: {  	[sflag:s21] =	ssyncset.done $0x0  }
0x72: {  	[sflag:s21] =	ssyncadd.s32 $0xFFFFE000  }
0x73: {  	_ =	swait.ge [sflag:s21], $0x2000  }
0x74: {  	[sflag:s21] =	ssyncset.done $0x0  }
0x75: {  	[sflag:s21] =	ssyncadd.s32 $0xFFFFE000  }
0x76: {  	_ =	swait.ge [sflag:s21], $0x2000  }
0x77: {  	[sflag:s21] =	ssyncset.done $0x0  }
0x78: {  	[sflag:s21] =	ssyncadd.s32 $0xFFFFE000  }
0x79: {  	_ =	swait.ge [sflag:s21], $0x2000  }
0x7a: {  	[sflag:s21] =	ssyncset.done $0x0  }
0x7b: {  	[sflag:s21] =	ssyncadd.s32 $0xFFFFE000  }
0x7c: {  	_ =	swait.ge [sflag:s21], $0x2000  }
0x7d: {  	[sflag:s21] =	ssyncset.done $0x0  }
0x7e: {  	[sflag:s21] =	ssyncadd.s32 $0xFFFFE000  }
0x7f: {  	_ =	swait.ge [sflag:s21], $0x2000  }
0x80: {  	[sflag:s21] =	ssyncset.done $0x0  }
0x81: {  	[sflag:s21] =	ssyncadd.s32 $0xFFFFE000  }
0x82: {  	_ =	swait.ge [sflag:s21], $0x2000  }
0x83: {  	[sflag:s21] =	ssyncset.done $0x0  }
0x84: {  	[sflag:s21] =	ssyncadd.s32 $0xFFFFE000  }
0x85: {  	_ =	swait.ge [sflag:s21], $0x2000  }
0x86: {  	[sflag:s21] =	ssyncset.done $0x0  }
0x87: {  	[sflag:s21] =	ssyncadd.s32 $0xFFFFE000  }
0x88: {  	_ =	strace $0x90000049  }
0x89: {  	_ =	strace $0x8000004A  }
0x8a: {  	[hbm4b:s22+s3] =	stream.linear.scatter [tilespmem:s6], [sflag:$0x2], $0x2000, $0x200038;
	[tilespmem:$0x10400] =	vst v63  }
0x8b: {  	_ =	swait.ge [sflag:s4], $0x2000  }
0x8c: {  	[sflag:s4] =	ssyncset.done $0x0  }
0x8d: {  	[sflag:s4] =	ssyncadd.s32 $0xFFFFE000  }
0x8e: {  	[hbm4b:s23+s3] =	stream.linear.scatter [tilespmem:s8], [sflag:$0x2], $0x2000, $0x200038;
	[tilespmem:$0x10400] =	vst v63  }
0x8f: {  	_ =	swait.ge [sflag:s4], $0x2000  }
0x90: {  	[sflag:s4] =	ssyncset.done $0x0  }
0x91: {  	[sflag:s4] =	ssyncadd.s32 $0xFFFFE000  }
0x92: {  	[hbm4b:s24+s3] =	stream.linear.scatter [tilespmem:s10], [sflag:$0x2], $0x2000, $0x200038;
	[tilespmem:$0x10400] =	vst v63  }
0x93: {  	_ =	swait.ge [sflag:s4], $0x2000  }
0x94: {  	[sflag:s4] =	ssyncset.done $0x0  }
0x95: {  	[sflag:s4] =	ssyncadd.s32 $0xFFFFE000  }
0x96: {  	[hbm4b:s25+s3] =	stream.linear.scatter [tilespmem:s12], [sflag:$0x2], $0x2000, $0x200038;
	[tilespmem:$0x10400] =	vst v63  }
0x97: {  	_ =	swait.ge [sflag:s4], $0x2000  }
0x98: {  	[sflag:s4] =	ssyncset.done $0x0  }
0x99: {  	[sflag:s4] =	ssyncadd.s32 $0xFFFFE000  }
0x9a: {  	[hbm4b:s26+s3] =	stream.linear.scatter [tilespmem:s14], [sflag:$0x2], $0x2000, $0x200038;
	[tilespmem:$0x10400] =	vst v63  }
0x9b: {  	_ =	swait.ge [sflag:s4], $0x2000  }
0x9c: {  	[sflag:s4] =	ssyncset.done $0x0  }
0x9d: {  	[sflag:s4] =	ssyncadd.s32 $0xFFFFE000  }
0x9e: {  	[hbm4b:s28+s3] =	stream.linear.scatter [tilespmem:s16], [sflag:$0x2], $0x2000, $0x200038;
	[tilespmem:$0x10400] =	vst v63  }
0x9f: {  	_ =	swait.ge [sflag:s4], $0x2000  }
0xa0: {  	[sflag:s4] =	ssyncset.done $0x0  }
0xa1: {  	[sflag:s4] =	ssyncadd.s32 $0xFFFFE000  }
0xa2: {  	[hbm4b:s29+s3] =	stream.linear.scatter [tilespmem:s18], [sflag:$0x2], $0x2000, $0x200038;
	[tilespmem:$0x10400] =	vst v63  }
0xa3: {  	_ =	swait.ge [sflag:s4], $0x2000  }
0xa4: {  	p0 =	sne.s32 s31, $0x1;
	[sflag:s4] =	ssyncset.done $0x0  }
.Ltmp1:
0xa5: {  	[sflag:s4] =	ssyncadd.s32 $0xFFFFE000;
	(pc) =	sbr.rel @p0 .LBB2_1-.Ltmp1, $4  }
0xa6: {  	[hbm4b:s30+s3] =	stream.linear.scatter [tilespmem:s20], [sflag:$0x2], $0x2000, $0x200038;
	[tilespmem:$0x10400] =	vst v63  }
0xa7: {  	_ =	swait.ge [sflag:s4], $0x2000  }
0xa8: {  	[sflag:s4] =	ssyncset.done $0x0  }
0xa9: {  	s31 =	sadd.s32 $0xFFFFFFFF, s31;
	[sflag:s4] =	ssyncadd.s32 $0xFFFFE000  }
.LBB2_2:
0xaa: {  	_ =	strace $0x9000004A  }
0xab: {  	_ =	sfence.sel $0x180000  }
0xac: {  	[bflag:$0x0] =	sbarrier.arrive $0xFFFF  }
0xad: {  	_ =	strace $0x90000047  }
0xae: {  	[bflag:$0x2] =	sbarrier.arrive $0xFFFF  }
0xaf: {  	p0 =	sne.s32 s0, $0x0;
	s0 =	rddreg [dreg:$0x3]  }
0xb0: {  	s0 =	sadd.s32 @!p0 $0x100000, s0  }
0xb1: {  	[sflag:s0] =	ssyncadd.tile.s32 @!p0 $0x1;
	_ =	shalt  }
.Lfunc_end2:
_tile_overlayer_lowered:
.L_overlay_start_2:
0xb2: {  	(tag) =	ssettag $0x2  }
0xb3: {  	s0 =	rddreg [dreg:$0x0];
	s2 =	stileid.u32  }
0xb4: {  	s1 =	rddreg [dreg:$0x1];
	p0 =	sne.s32 s2, $0x0  }
0xb5: {  	s3 =	rddreg [dreg:$0x2];
	[bflag:$0x3] =	sbarrier.arrive $0xFFFF;
	s2 =	simm.s32 @!p0 $0x1C02  }
0xb6: {  	[timem:s3], [sflag:s2] =	dma.local @!p0 [hbm:s0], s1  }
0xb7: {  	s0 =	simm.s32 @!p0 $0x2  }
0xb8: {  	_ =	swait.ge @!p0 [sflag:s0], s1  }
0xb9: {  	s1 =	ssub.s32 @!p0 $0x0, s1;
	[sflag:s0] =	ssyncset.done @!p0 $0x0  }
0xba: {  	[sflag:s0] =	ssyncadd.s32 @!p0 s1  }
0xbb: {  	[bflag:$0x3] =	sbarrier.arrive $0xFFFF  }
0xbc: {  	_ =	shalt  }

</sc_bundles>
